<compile_context>
chip_gen: v7x
topology: tpu7x:2x2x1
jax: 0.10.2.dev20260603
libtpu: 0.0.44.dev20260713+nightly
codegen_flags: <defaults>
</compile_context>

<pallas_src>
import functools

import jax
import jax.numpy as jnp
from jax import lax
from jax.experimental import pallas as pl
from jax.experimental.pallas import tpu as pltpu
from jax.experimental.pallas import tpu_sc as plsc

NCOLS = 26
NROWS = 16384
TOKEN_DIM = 16
B_TOTAL = NROWS * NCOLS
PATTERN = 208

_info = plsc.get_sparse_core_info()
NW = _info.num_cores * _info.num_subcores
B_PER_W = B_TOTAL // NW
CHUNK = 1664
NCHUNK = B_PER_W // CHUNK
VREGS_PER_CHUNK = CHUNK // 16


def _make_kernel():
    mesh = plsc.VectorSubcoreMesh(core_axis_name="c", subcore_axis_name="s")

    @functools.partial(
        pl.kernel,
        mesh=mesh,
        compiler_params=pltpu.CompilerParams(use_tc_tiling_on_sc=False),
        out_type=jax.ShapeDtypeStruct((NROWS, NCOLS, TOKEN_DIM), jnp.float32),
        scratch_types=[
            pltpu.VMEM((CHUNK,), jnp.int32),
            pltpu.VMEM((CHUNK,), jnp.int32),
            pltpu.VMEM((CHUNK,), jnp.int32),
            pltpu.VMEM((CHUNK,), jnp.int32),
            pltpu.VMEM((CHUNK, TOKEN_DIM), jnp.float32),
            pltpu.VMEM((CHUNK, TOKEN_DIM), jnp.float32),
            pltpu.VMEM((PATTERN,), jnp.int32),
            pltpu.SemaphoreType.DMA,
            pltpu.SemaphoreType.DMA,
        ],
    )
    def emb_kernel(x_hbm, pat_hbm, table_hbm, out_hbm,
                   xbuf0, xbuf1, idxbuf0, idxbuf1, rows0, rows1,
                   pat_v, sem0, sem1):
        wid = lax.axis_index("c") * _info.num_subcores + lax.axis_index("s")
        base = wid * B_PER_W

        xbufs = (xbuf0, xbuf1)
        idxbufs = (idxbuf0, idxbuf1)
        rowbufs = (rows0, rows1)
        sems = (sem0, sem1)

        pltpu.sync_copy(pat_hbm, pat_v)

        def start_chunk(c, nb):
            gb = base + c * CHUNK
            xb, ib = xbufs[nb], idxbufs[nb]
            pltpu.sync_copy(x_hbm.at[pl.ds(gb, CHUNK)], xb)

            def add_body(v, carry):
                ph = 16 * lax.rem(v, 13)
                ib[pl.ds(16 * v, 16)] = xb[pl.ds(16 * v, 16)] + pat_v[pl.ds(ph, 16)]
                return carry

            lax.fori_loop(0, VREGS_PER_CHUNK, add_body, 0)
            return pltpu.async_copy(table_hbm.at[ib], rowbufs[nb], sems[nb])

        handle = start_chunk(0, 0)
        for c in range(NCHUNK):
            nb = c % 2
            nxt = None
            if c + 1 < NCHUNK:
                nxt = start_chunk(c + 1, 1 - nb)
            handle.wait()
            row0 = (base + c * CHUNK) // NCOLS

            def out_row(r, carry):
                pltpu.sync_copy(rowbufs[nb].at[pl.ds(NCOLS * r, NCOLS)],
                                out_hbm.at[row0 + r])
                return carry

            lax.fori_loop(0, CHUNK // NCOLS, out_row, 0)
            handle = nxt

    return emb_kernel


_emb = _make_kernel()


@jax.jit
def kernel(x_cat, category_offsets, table):
    x_flat = x_cat.reshape(B_TOTAL).astype(jnp.int32)
    pat = jnp.tile(category_offsets.astype(jnp.int32), PATTERN // NCOLS)
    return _emb(x_flat, pat, table)

# --- scband reference (transcript-rebuilt; emitter-appended) ---
"""Pipeline reference for scband-categorical-embedding-63462436766294 (READ-ONLY COPY).

The authoritative reference and input builder live on the scoring server;
editing this copy changes nothing except your own understanding.
"""

import jax, jax.numpy as jnp
import numpy as np

CARDINALITIES = [100000] * 26
TOKEN_DIM = 16


def _build_table_and_offsets(key):
    cards_ = [c + 1 for c in CARDINALITIES]
    offsets = np.concatenate([[0], np.array(cards_[:-1], dtype=np.int64)]).cumsum(0)
    total = int(sum(cards_))
    # kaiming_uniform_(a=sqrt(5)) on weight [total, token_dim]: fan_in = token_dim
    bound = float(np.sqrt(6.0 / ((1.0 + 5.0) * TOKEN_DIM)))
    table = jax.random.uniform(key, (total, TOKEN_DIM), dtype=jnp.float32, minval=-bound, maxval=bound)
    # zero the 'missing/unknown' row of each field
    zero_rows = jnp.asarray(offsets + np.array(cards_, dtype=np.int64) - 1)
    table = table.at[zero_rows].set(0.0)
    return table, jnp.asarray(offsets, dtype=jnp.int64)


def setup_inputs(seed: int = 0) -> dict:
    key = jax.random.key(seed)
    k_idx, k_tab = jax.random.split(key)
    x_cat = jax.random.randint(k_idx, (16384, 26), 0, 100000, dtype=jnp.int64)
    table, category_offsets = _build_table_and_offsets(k_tab)
    return {"x_cat": x_cat, "category_offsets": category_offsets, "table": table}


def reference(x_cat, category_offsets, table):
    idx = x_cat + category_offsets[None]
    out = jnp.take(table, idx, axis=0)
    return out

if __name__ == "__main__":
    import jax
    _d = setup_inputs()
    print(jax.jit(kernel)(*tuple(_d.values())))

</pallas_src>

<mosaic_0001>
#map = affine_map<(d0, d1) -> (0)>
#map1 = affine_map<(d0, d1) -> (0, 0)>
#map2 = affine_map<(d0, d1) -> (0, 0, 0)>
module attributes {stable_mosaic.version = 14 : i64} {
  func.func @emb_kernel(%arg0: i32, %arg1: i32, %arg2: memref<425984xi32, #tpu.memory_space<hbm>>, %arg3: memref<208xi32, #tpu.memory_space<hbm>>, %arg4: memref<2600026x16xf32, #tpu.memory_space<hbm>>, %arg5: memref<16384x26x16xf32, #tpu.memory_space<hbm>>, %arg6: memref<1664xi32, #tpu.memory_space<vmem>>, %arg7: memref<1664xi32, #tpu.memory_space<vmem>>, %arg8: memref<1664xi32, #tpu.memory_space<vmem>>, %arg9: memref<1664xi32, #tpu.memory_space<vmem>>, %arg10: memref<1664x16xf32, #tpu.memory_space<vmem>>, %arg11: memref<1664x16xf32, #tpu.memory_space<vmem>>, %arg12: memref<208xi32, #tpu.memory_space<vmem>>, %arg13: memref<!tpu.dma_semaphore, #tpu.memory_space<semaphore_mem>>, %arg14: memref<!tpu.dma_semaphore, #tpu.memory_space<semaphore_mem>>) attributes {dimension_semantics = [#tpu.dimension_semantics<core_parallel>, #tpu.dimension_semantics<subcore_parallel>], iteration_bounds = array<i64: 2, 16>, scalar_prefetch = 0 : i64, scratch_operands = 9 : i64, tpu.core_type = #tpu.core_type<sc_vector_subcore>, window_params = [{transform_indices = #map}, {transform_indices = #map}, {transform_indices = #map1}, {transform_indices = #map2}]} {
    %mul3A = arith.constant 16 : i32
    %mul3A_0 = arith.muli %arg0, %mul3A : i32
    %add3A = arith.addi %mul3A_0, %arg1 : i32
    %mul3A_1 = arith.constant 13312 : i32
    %mul3A_2 = arith.muli %add3A, %mul3A_1 : i32
    "tpu.region"() ({
      %run_scoped3A = tpu.sem_alloc : memref<!tpu.dma_semaphore, #tpu.memory_space<semaphore_mem>>
      tpu.enqueue_dma source(%arg3 : memref<208xi32, #tpu.memory_space<hbm>>) target(%arg12 : memref<208xi32, #tpu.memory_space<vmem>>) target_semaphore(%run_scoped3A : memref<!tpu.dma_semaphore, #tpu.memory_space<semaphore_mem>>)
      tpu.wait_dma2 semaphore(%run_scoped3A : memref<!tpu.dma_semaphore, #tpu.memory_space<semaphore_mem>>) src(%arg3 : memref<208xi32, #tpu.memory_space<hbm>>) dst(%arg12 : memref<208xi32, #tpu.memory_space<vmem>>)
      tpu.yield
    }) : () -> ()
    %add3A_3 = arith.constant 0 : i32
    %add3A_4 = arith.addi %mul3A_2, %add3A_3 : i32
    "tpu.region"() ({
      %run_scoped3A = tpu.sem_alloc : memref<!tpu.dma_semaphore, #tpu.memory_space<semaphore_mem>>
      %dma_start3A_360 = tpu.memref_slice %arg2[%add3A_4] : memref<425984xi32, #tpu.memory_space<hbm>> -> memref<1664xi32, #tpu.memory_space<hbm>>
      %dma_start3A_361 = tpu.memref_slice %arg2[%add3A_4] : memref<425984xi32, #tpu.memory_space<hbm>> -> memref<1664xi32, #tpu.memory_space<hbm>>
      tpu.enqueue_dma source(%dma_start3A_361 : memref<1664xi32, #tpu.memory_space<hbm>>) target(%arg6 : memref<1664xi32, #tpu.memory_space<vmem>>) target_semaphore(%run_scoped3A : memref<!tpu.dma_semaphore, #tpu.memory_space<semaphore_mem>>)
      %dma_wait3A_362 = tpu.memref_slice %arg2[%add3A_4] : memref<425984xi32, #tpu.memory_space<hbm>> -> memref<1664xi32, #tpu.memory_space<hbm>>
      %dma_wait3A_363 = tpu.memref_slice %arg2[%add3A_4] : memref<425984xi32, #tpu.memory_space<hbm>> -> memref<1664xi32, #tpu.memory_space<hbm>>
      tpu.wait_dma2 semaphore(%run_scoped3A : memref<!tpu.dma_semaphore, #tpu.memory_space<semaphore_mem>>) src(%dma_wait3A_363 : memref<1664xi32, #tpu.memory_space<hbm>>) dst(%arg6 : memref<1664xi32, #tpu.memory_space<vmem>>)
      tpu.yield
    }) : () -> ()
    %scan3A = arith.constant 0 : i32
    %scan3A_5 = arith.constant 0 : i32
    %scan3A_6 = arith.constant 104 : i32
    %scan3A_7 = arith.addi %scan3A_5, %scan3A_6 : i32
    %scan3A_8 = arith.constant 1 : i32
    scf.for %scan3A_360 = %scan3A_5 to %scan3A_7 step %scan3A_8  : i32 {
      %rem3A_361 = arith.constant 13 : i32
      %rem3A_362 = arith.remsi %scan3A_360, %rem3A_361 : i32
      %mul3A_363 = arith.constant 16 : i32
      %mul3A_364 = arith.muli %mul3A_363, %rem3A_362 : i32
      %mul3A_365 = arith.constant 16 : i32
      %mul3A_366 = arith.muli %mul3A_365, %scan3A_360 : i32
      %get3A = arith.index_cast %mul3A_366 : i32 to index
      %get3A_367 = tpu.vector_load %arg6[%get3A] {strides = array<i32>} : memref<1664xi32, #tpu.memory_space<vmem>>, vector<16xi32>,
      %get3A_368 = vector.shape_cast %get3A_367 : vector<16xi32> to vector<16xi32>
      %get3A_369 = arith.index_cast %mul3A_364 : i32 to index
      %get3A_370 = tpu.vector_load %arg12[%get3A_369] {strides = array<i32>} : memref<208xi32, #tpu.memory_space<vmem>>, vector<16xi32>,
      %get3A_371 = vector.shape_cast %get3A_370 : vector<16xi32> to vector<16xi32>
      %add3A_372 = arith.addi %get3A_368, %get3A_371 : vector<16xi32>
      %mul3A_373 = arith.constant 16 : i32
      %mul3A_374 = arith.muli %mul3A_373, %scan3A_360 : i32
      %swap3A = arith.index_cast %mul3A_374 : i32 to index
      %swap3A_375 = tpu.vector_load %arg8[%swap3A] {strides = array<i32>} : memref<1664xi32, #tpu.memory_space<vmem>>, vector<16xi32>,
      %swap3A_376 = vector.shape_cast %swap3A_375 : vector<16xi32> to vector<16xi32>
      %swap3A_377 = vector.shape_cast %add3A_372 : vector<16xi32> to vector<16xi32>
      tpu.vector_store %arg8[%swap3A], %swap3A_377 {strides = array<i32>} : memref<1664xi32, #tpu.memory_space<vmem>>, vector<16xi32>,
    }
    %scan3A_9 = arith.constant 104 : i32
    %dma_start3A = arith.constant 0 : i32
    %dma_start3A_10 = arith.constant 0 : i32
    %dma_start3A_11 = tpu.memref_slice %arg4[%dma_start3A, %dma_start3A_10] : memref<2600026x16xf32, #tpu.memory_space<hbm>> -> memref<2600026x16xf32, #tpu.memory_space<hbm>>
    tpu.enqueue_indirect_dma source(%dma_start3A_11 : memref<2600026x16xf32, #tpu.memory_space<hbm>>) target(%arg10 : memref<1664x16xf32, #tpu.memory_space<vmem>>) offsets(%arg8 : memref<1664xi32, #tpu.memory_space<vmem>>) semaphore(%arg13 : memref<!tpu.dma_semaphore, #tpu.memory_space<semaphore_mem>>)
    %add3A_12 = arith.constant 1664 : i32
    %add3A_13 = arith.addi %mul3A_2, %add3A_12 : i32
    "tpu.region"() ({
      %run_scoped3A = tpu.sem_alloc : memref<!tpu.dma_semaphore, #tpu.memory_space<semaphore_mem>>
      %dma_start3A_360 = tpu.memref_slice %arg2[%add3A_13] : memref<425984xi32, #tpu.memory_space<hbm>> -> memref<1664xi32, #tpu.memory_space<hbm>>
      %dma_start3A_361 = tpu.memref_slice %arg2[%add3A_13] : memref<425984xi32, #tpu.memory_space<hbm>> -> memref<1664xi32, #tpu.memory_space<hbm>>
      tpu.enqueue_dma source(%dma_start3A_361 : memref<1664xi32, #tpu.memory_space<hbm>>) target(%arg7 : memref<1664xi32, #tpu.memory_space<vmem>>) target_semaphore(%run_scoped3A : memref<!tpu.dma_semaphore, #tpu.memory_space<semaphore_mem>>)
      %dma_wait3A_362 = tpu.memref_slice %arg2[%add3A_13] : memref<425984xi32, #tpu.memory_space<hbm>> -> memref<1664xi32, #tpu.memory_space<hbm>>
      %dma_wait3A_363 = tpu.memref_slice %arg2[%add3A_13] : memref<425984xi32, #tpu.memory_space<hbm>> -> memref<1664xi32, #tpu.memory_space<hbm>>
      tpu.wait_dma2 semaphore(%run_scoped3A : memref<!tpu.dma_semaphore, #tpu.memory_space<semaphore_mem>>) src(%dma_wait3A_363 : memref<1664xi32, #tpu.memory_space<hbm>>) dst(%arg7 : memref<1664xi32, #tpu.memory_space<vmem>>)
      tpu.yield
    }) : () -> ()
    %scan3A_14 = arith.constant 0 : i32
    %scan3A_15 = arith.constant 0 : i32
    %scan3A_16 = arith.constant 104 : i32
    %scan3A_17 = arith.addi %scan3A_15, %scan3A_16 : i32
    %scan3A_18 = arith.constant 1 : i32
    scf.for %scan3A_360 = %scan3A_15 to %scan3A_17 step %scan3A_18  : i32 {
      %rem3A_361 = arith.constant 13 : i32
      %rem3A_362 = arith.remsi %scan3A_360, %rem3A_361 : i32
      %mul3A_363 = arith.constant 16 : i32
      %mul3A_364 = arith.muli %mul3A_363, %rem3A_362 : i32
      %mul3A_365 = arith.constant 16 : i32
      %mul3A_366 = arith.muli %mul3A_365, %scan3A_360 : i32
      %get3A = arith.index_cast %mul3A_366 : i32 to index
      %get3A_367 = tpu.vector_load %arg7[%get3A] {strides = array<i32>} : memref<1664xi32, #tpu.memory_space<vmem>>, vector<16xi32>,
      %get3A_368 = vector.shape_cast %get3A_367 : vector<16xi32> to vector<16xi32>
      %get3A_369 = arith.index_cast %mul3A_364 : i32 to index
      %get3A_370 = tpu.vector_load %arg12[%get3A_369] {strides = array<i32>} : memref<208xi32, #tpu.memory_space<vmem>>, vector<16xi32>,
      %get3A_371 = vector.shape_cast %get3A_370 : vector<16xi32> to vector<16xi32>
      %add3A_372 = arith.addi %get3A_368, %get3A_371 : vector<16xi32>
      %mul3A_373 = arith.constant 16 : i32
      %mul3A_374 = arith.muli %mul3A_373, %scan3A_360 : i32
      %swap3A = arith.index_cast %mul3A_374 : i32 to index
      %swap3A_375 = tpu.vector_load %arg9[%swap3A] {strides = array<i32>} : memref<1664xi32, #tpu.memory_space<vmem>>, vector<16xi32>,
      %swap3A_376 = vector.shape_cast %swap3A_375 : vector<16xi32> to vector<16xi32>
      %swap3A_377 = vector.shape_cast %add3A_372 : vector<16xi32> to vector<16xi32>
      tpu.vector_store %arg9[%swap3A], %swap3A_377 {strides = array<i32>} : memref<1664xi32, #tpu.memory_space<vmem>>, vector<16xi32>,
    }
    %scan3A_19 = arith.constant 104 : i32
    %dma_start3A_20 = arith.constant 0 : i32
    %dma_start3A_21 = arith.constant 0 : i32
    %dma_start3A_22 = tpu.memref_slice %arg4[%dma_start3A_20, %dma_start3A_21] : memref<2600026x16xf32, #tpu.memory_space<hbm>> -> memref<2600026x16xf32, #tpu.memory_space<hbm>>
    tpu.enqueue_indirect_dma source(%dma_start3A_22 : memref<2600026x16xf32, #tpu.memory_space<hbm>>) target(%arg11 : memref<1664x16xf32, #tpu.memory_space<vmem>>) offsets(%arg9 : memref<1664xi32, #tpu.memory_space<vmem>>) semaphore(%arg14 : memref<!tpu.dma_semaphore, #tpu.memory_space<semaphore_mem>>)
    %dma_wait3A = arith.constant 0 : i32
    %dma_wait3A_23 = arith.constant 0 : i32
    %dma_wait3A_24 = tpu.memref_slice %arg4[%dma_wait3A, %dma_wait3A_23] : memref<2600026x16xf32, #tpu.memory_space<hbm>> -> memref<2600026x16xf32, #tpu.memory_space<hbm>>
    tpu.wait_indirect_dma semaphore(%arg13 : memref<!tpu.dma_semaphore, #tpu.memory_space<semaphore_mem>>) src(%dma_wait3A_24 : memref<2600026x16xf32, #tpu.memory_space<hbm>>) dst(%arg10 : memref<1664x16xf32, #tpu.memory_space<vmem>>)
    %add3A_25 = arith.constant 0 : i32
    %add3A_26 = arith.addi %mul3A_2, %add3A_25 : i32
    %jit3A = arith.constant 26 : i32
    %div3A = arith.divsi %add3A_26, %jit3A : i32
    %sign3A = arith.constant 0 : i32
    %sign3A_27 = arith.cmpi sgt, %add3A_26, %sign3A : i32
    %sign3A_28 = arith.extui %sign3A_27 : i1 to i32
    %sign3A_29 = arith.constant 0 : i32
    %sign3A_30 = arith.cmpi slt, %add3A_26, %sign3A_29 : i32
    %sign3A_31 = arith.extui %sign3A_30 : i1 to i32
    %sign3A_32 = arith.subi %sign3A_28, %sign3A_31 : i32
    %sign3A_33 = arith.constant 0 : i32
    %sign3A_34 = arith.cmpi sgt, %jit3A, %sign3A_33 : i32
    %sign3A_35 = arith.extui %sign3A_34 : i1 to i32
    %sign3A_36 = arith.constant 0 : i32
    %sign3A_37 = arith.cmpi slt, %jit3A, %sign3A_36 : i32
    %sign3A_38 = arith.extui %sign3A_37 : i1 to i32
    %sign3A_39 = arith.subi %sign3A_35, %sign3A_38 : i32
    %ne3A = arith.cmpi ne, %sign3A_32, %sign3A_39 : i32
    %rem3A = arith.remsi %add3A_26, %jit3A : i32
    %ne3A_40 = arith.constant 0 : i32
    %ne3A_41 = arith.cmpi ne, %rem3A, %ne3A_40 : i32
    %and3A = arith.andi %ne3A, %ne3A_41 : i1
    %sub3A = arith.constant 1 : i32
    %sub3A_42 = arith.subi %div3A, %sub3A : i32
    %select_n3A = arith.select %and3A, %sub3A_42, %div3A : i32
    %scan3A_43 = arith.constant 0 : i32
    %scan3A_44 = arith.constant 0 : i32
    %scan3A_45 = arith.constant 64 : i32
    %scan3A_46 = arith.addi %scan3A_44, %scan3A_45 : i32
    %scan3A_47 = arith.constant 1 : i32
    scf.for %scan3A_360 = %scan3A_44 to %scan3A_46 step %scan3A_47  : i32 {
      %mul3A_361 = arith.constant 26 : i32
      %mul3A_362 = arith.muli %mul3A_361, %scan3A_360 : i32
      %add3A_363 = arith.addi %select_n3A, %scan3A_360 : i32
      "tpu.region"() ({
        %run_scoped3A = tpu.sem_alloc : memref<!tpu.dma_semaphore, #tpu.memory_space<semaphore_mem>>
        %dma_start3A_364 = arith.constant 0 : i32
        %dma_start3A_365 = tpu.memref_slice %arg10[%mul3A_362, %dma_start3A_364] : memref<1664x16xf32, #tpu.memory_space<vmem>> -> memref<26x16xf32, #tpu.memory_space<vmem>>
        %dma_start3A_366 = arith.constant 0 : i32
        %dma_start3A_367 = arith.constant 0 : i32
        %dma_start3A_368 = tpu.memref_slice %arg5[%add3A_363, %dma_start3A_366, %dma_start3A_367] : memref<16384x26x16xf32, #tpu.memory_space<hbm>> -> memref<1x26x16xf32, #tpu.memory_space<hbm>>
        %dma_start3A_369 = tpu.memref_squeeze %dma_start3A_368 : memref<1x26x16xf32, #tpu.memory_space<hbm>> -> memref<26x16xf32, #tpu.memory_space<hbm>>
        %dma_start3A_370 = arith.constant 0 : i32
        %dma_start3A_371 = arith.constant 0 : i32
        %dma_start3A_372 = tpu.memref_slice %arg5[%add3A_363, %dma_start3A_370, %dma_start3A_371] : memref<16384x26x16xf32, #tpu.memory_space<hbm>> -> memref<1x26x16xf32, #tpu.memory_space<hbm>>
        %dma_start3A_373 = tpu.memref_squeeze %dma_start3A_372 : memref<1x26x16xf32, #tpu.memory_space<hbm>> -> memref<26x16xf32, #tpu.memory_space<hbm>>
        %dma_start3A_374 = arith.constant 0 : i32
        %dma_start3A_375 = tpu.memref_slice %arg10[%mul3A_362, %dma_start3A_374] : memref<1664x16xf32, #tpu.memory_space<vmem>> -> memref<26x16xf32, #tpu.memory_space<vmem>>
        tpu.enqueue_dma source(%dma_start3A_375 : memref<26x16xf32, #tpu.memory_space<vmem>>) target(%dma_start3A_373 : memref<26x16xf32, #tpu.memory_space<hbm>>) target_semaphore(%run_scoped3A : memref<!tpu.dma_semaphore, #tpu.memory_space<semaphore_mem>>)
        %dma_wait3A_376 = arith.constant 0 : i32
        %dma_wait3A_377 = tpu.memref_slice %arg10[%mul3A_362, %dma_wait3A_376] : memref<1664x16xf32, #tpu.memory_space<vmem>> -> memref<26x16xf32, #tpu.memory_space<vmem>>
        %dma_wait3A_378 = arith.constant 0 : i32
        %dma_wait3A_379 = arith.constant 0 : i32
        %dma_wait3A_380 = tpu.memref_slice %arg5[%add3A_363, %dma_wait3A_378, %dma_wait3A_379] : memref<16384x26x16xf32, #tpu.memory_space<hbm>> -> memref<1x26x16xf32, #tpu.memory_space<hbm>>
        %dma_wait3A_381 = tpu.memref_squeeze %dma_wait3A_380 : memref<1x26x16xf32, #tpu.memory_space<hbm>> -> memref<26x16xf32, #tpu.memory_space<hbm>>
        %dma_wait3A_382 = arith.constant 0 : i32
        %dma_wait3A_383 = arith.constant 0 : i32
        %dma_wait3A_384 = tpu.memref_slice %arg5[%add3A_363, %dma_wait3A_382, %dma_wait3A_383] : memref<16384x26x16xf32, #tpu.memory_space<hbm>> -> memref<1x26x16xf32, #tpu.memory_space<hbm>>
        %dma_wait3A_385 = tpu.memref_squeeze %dma_wait3A_384 : memref<1x26x16xf32, #tpu.memory_space<hbm>> -> memref<26x16xf32, #tpu.memory_space<hbm>>
        %dma_wait3A_386 = arith.constant 0 : i32
        %dma_wait3A_387 = tpu.memref_slice %arg10[%mul3A_362, %dma_wait3A_386] : memref<1664x16xf32, #tpu.memory_space<vmem>> -> memref<26x16xf32, #tpu.memory_space<vmem>>
        tpu.wait_dma2 semaphore(%run_scoped3A : memref<!tpu.dma_semaphore, #tpu.memory_space<semaphore_mem>>) src(%dma_wait3A_387 : memref<26x16xf32, #tpu.memory_space<vmem>>) dst(%dma_wait3A_385 : memref<26x16xf32, #tpu.memory_space<hbm>>)
        tpu.yield
      }) : () -> ()
    }
    %scan3A_48 = arith.constant 64 : i32
    %add3A_49 = arith.constant 3328 : i32
    %add3A_50 = arith.addi %mul3A_2, %add3A_49 : i32
    "tpu.region"() ({
      %run_scoped3A = tpu.sem_alloc : memref<!tpu.dma_semaphore, #tpu.memory_space<semaphore_mem>>
      %dma_start3A_360 = tpu.memref_slice %arg2[%add3A_50] : memref<425984xi32, #tpu.memory_space<hbm>> -> memref<1664xi32, #tpu.memory_space<hbm>>
      %dma_start3A_361 = tpu.memref_slice %arg2[%add3A_50] : memref<425984xi32, #tpu.memory_space<hbm>> -> memref<1664xi32, #tpu.memory_space<hbm>>
      tpu.enqueue_dma source(%dma_start3A_361 : memref<1664xi32, #tpu.memory_space<hbm>>) target(%arg6 : memref<1664xi32, #tpu.memory_space<vmem>>) target_semaphore(%run_scoped3A : memref<!tpu.dma_semaphore, #tpu.memory_space<semaphore_mem>>)
      %dma_wait3A_362 = tpu.memref_slice %arg2[%add3A_50] : memref<425984xi32, #tpu.memory_space<hbm>> -> memref<1664xi32, #tpu.memory_space<hbm>>
      %dma_wait3A_363 = tpu.memref_slice %arg2[%add3A_50] : memref<425984xi32, #tpu.memory_space<hbm>> -> memref<1664xi32, #tpu.memory_space<hbm>>
      tpu.wait_dma2 semaphore(%run_scoped3A : memref<!tpu.dma_semaphore, #tpu.memory_space<semaphore_mem>>) src(%dma_wait3A_363 : memref<1664xi32, #tpu.memory_space<hbm>>) dst(%arg6 : memref<1664xi32, #tpu.memory_space<vmem>>)
      tpu.yield
    }) : () -> ()
    %scan3A_51 = arith.constant 0 : i32
    %scan3A_52 = arith.constant 0 : i32
    %scan3A_53 = arith.constant 104 : i32
    %scan3A_54 = arith.addi %scan3A_52, %scan3A_53 : i32
    %scan3A_55 = arith.constant 1 : i32
    scf.for %scan3A_360 = %scan3A_52 to %scan3A_54 step %scan3A_55  : i32 {
      %rem3A_361 = arith.constant 13 : i32
      %rem3A_362 = arith.remsi %scan3A_360, %rem3A_361 : i32
      %mul3A_363 = arith.constant 16 : i32
      %mul3A_364 = arith.muli %mul3A_363, %rem3A_362 : i32
      %mul3A_365 = arith.constant 16 : i32
      %mul3A_366 = arith.muli %mul3A_365, %scan3A_360 : i32
      %get3A = arith.index_cast %mul3A_366 : i32 to index
      %get3A_367 = tpu.vector_load %arg6[%get3A] {strides = array<i32>} : memref<1664xi32, #tpu.memory_space<vmem>>, vector<16xi32>,
      %get3A_368 = vector.shape_cast %get3A_367 : vector<16xi32> to vector<16xi32>
      %get3A_369 = arith.index_cast %mul3A_364 : i32 to index
      %get3A_370 = tpu.vector_load %arg12[%get3A_369] {strides = array<i32>} : memref<208xi32, #tpu.memory_space<vmem>>, vector<16xi32>,
      %get3A_371 = vector.shape_cast %get3A_370 : vector<16xi32> to vector<16xi32>
      %add3A_372 = arith.addi %get3A_368, %get3A_371 : vector<16xi32>
      %mul3A_373 = arith.constant 16 : i32
      %mul3A_374 = arith.muli %mul3A_373, %scan3A_360 : i32
      %swap3A = arith.index_cast %mul3A_374 : i32 to index
      %swap3A_375 = tpu.vector_load %arg8[%swap3A] {strides = array<i32>} : memref<1664xi32, #tpu.memory_space<vmem>>, vector<16xi32>,
      %swap3A_376 = vector.shape_cast %swap3A_375 : vector<16xi32> to vector<16xi32>
      %swap3A_377 = vector.shape_cast %add3A_372 : vector<16xi32> to vector<16xi32>
      tpu.vector_store %arg8[%swap3A], %swap3A_377 {strides = array<i32>} : memref<1664xi32, #tpu.memory_space<vmem>>, vector<16xi32>,
    }
    %scan3A_56 = arith.constant 104 : i32
    %dma_start3A_57 = arith.constant 0 : i32
    %dma_start3A_58 = arith.constant 0 : i32
    %dma_start3A_59 = tpu.memref_slice %arg4[%dma_start3A_57, %dma_start3A_58] : memref<2600026x16xf32, #tpu.memory_space<hbm>> -> memref<2600026x16xf32, #tpu.memory_space<hbm>>
    tpu.enqueue_indirect_dma source(%dma_start3A_59 : memref<2600026x16xf32, #tpu.memory_space<hbm>>) target(%arg10 : memref<1664x16xf32, #tpu.memory_space<vmem>>) offsets(%arg8 : memref<1664xi32, #tpu.memory_space<vmem>>) semaphore(%arg13 : memref<!tpu.dma_semaphore, #tpu.memory_space<semaphore_mem>>)
    %dma_wait3A_60 = arith.constant 0 : i32
    %dma_wait3A_61 = arith.constant 0 : i32
    %dma_wait3A_62 = tpu.memref_slice %arg4[%dma_wait3A_60, %dma_wait3A_61] : memref<2600026x16xf32, #tpu.memory_space<hbm>> -> memref<2600026x16xf32, #tpu.memory_space<hbm>>
    tpu.wait_indirect_dma semaphore(%arg14 : memref<!tpu.dma_semaphore, #tpu.memory_space<semaphore_mem>>) src(%dma_wait3A_62 : memref<2600026x16xf32, #tpu.memory_space<hbm>>) dst(%arg11 : memref<1664x16xf32, #tpu.memory_space<vmem>>)
    %add3A_63 = arith.constant 1664 : i32
    %add3A_64 = arith.addi %mul3A_2, %add3A_63 : i32
    %jit3A_65 = arith.constant 26 : i32
    %div3A_66 = arith.divsi %add3A_64, %jit3A_65 : i32
    %sign3A_67 = arith.constant 0 : i32
    %sign3A_68 = arith.cmpi sgt, %add3A_64, %sign3A_67 : i32
    %sign3A_69 = arith.extui %sign3A_68 : i1 to i32
    %sign3A_70 = arith.constant 0 : i32
    %sign3A_71 = arith.cmpi slt, %add3A_64, %sign3A_70 : i32
    %sign3A_72 = arith.extui %sign3A_71 : i1 to i32
    %sign3A_73 = arith.subi %sign3A_69, %sign3A_72 : i32
    %sign3A_74 = arith.constant 0 : i32
    %sign3A_75 = arith.cmpi sgt, %jit3A_65, %sign3A_74 : i32
    %sign3A_76 = arith.extui %sign3A_75 : i1 to i32
    %sign3A_77 = arith.constant 0 : i32
    %sign3A_78 = arith.cmpi slt, %jit3A_65, %sign3A_77 : i32
    %sign3A_79 = arith.extui %sign3A_78 : i1 to i32
    %sign3A_80 = arith.subi %sign3A_76, %sign3A_79 : i32
    %ne3A_81 = arith.cmpi ne, %sign3A_73, %sign3A_80 : i32
    %rem3A_82 = arith.remsi %add3A_64, %jit3A_65 : i32
    %ne3A_83 = arith.constant 0 : i32
    %ne3A_84 = arith.cmpi ne, %rem3A_82, %ne3A_83 : i32
    %and3A_85 = arith.andi %ne3A_81, %ne3A_84 : i1
    %sub3A_86 = arith.constant 1 : i32
    %sub3A_87 = arith.subi %div3A_66, %sub3A_86 : i32
    %select_n3A_88 = arith.select %and3A_85, %sub3A_87, %div3A_66 : i32
    %scan3A_89 = arith.constant 0 : i32
    %scan3A_90 = arith.constant 0 : i32
    %scan3A_91 = arith.constant 64 : i32
    %scan3A_92 = arith.addi %scan3A_90, %scan3A_91 : i32
    %scan3A_93 = arith.constant 1 : i32
    scf.for %scan3A_360 = %scan3A_90 to %scan3A_92 step %scan3A_93  : i32 {
      %mul3A_361 = arith.constant 26 : i32
      %mul3A_362 = arith.muli %mul3A_361, %scan3A_360 : i32
      %add3A_363 = arith.addi %select_n3A_88, %scan3A_360 : i32
      "tpu.region"() ({
        %run_scoped3A = tpu.sem_alloc : memref<!tpu.dma_semaphore, #tpu.memory_space<semaphore_mem>>
        %dma_start3A_364 = arith.constant 0 : i32
        %dma_start3A_365 = tpu.memref_slice %arg11[%mul3A_362, %dma_start3A_364] : memref<1664x16xf32, #tpu.memory_space<vmem>> -> memref<26x16xf32, #tpu.memory_space<vmem>>
        %dma_start3A_366 = arith.constant 0 : i32
        %dma_start3A_367 = arith.constant 0 : i32
        %dma_start3A_368 = tpu.memref_slice %arg5[%add3A_363, %dma_start3A_366, %dma_start3A_367] : memref<16384x26x16xf32, #tpu.memory_space<hbm>> -> memref<1x26x16xf32, #tpu.memory_space<hbm>>
        %dma_start3A_369 = tpu.memref_squeeze %dma_start3A_368 : memref<1x26x16xf32, #tpu.memory_space<hbm>> -> memref<26x16xf32, #tpu.memory_space<hbm>>
        %dma_start3A_370 = arith.constant 0 : i32
        %dma_start3A_371 = arith.constant 0 : i32
        %dma_start3A_372 = tpu.memref_slice %arg5[%add3A_363, %dma_start3A_370, %dma_start3A_371] : memref<16384x26x16xf32, #tpu.memory_space<hbm>> -> memref<1x26x16xf32, #tpu.memory_space<hbm>>
        %dma_start3A_373 = tpu.memref_squeeze %dma_start3A_372 : memref<1x26x16xf32, #tpu.memory_space<hbm>> -> memref<26x16xf32, #tpu.memory_space<hbm>>
        %dma_start3A_374 = arith.constant 0 : i32
        %dma_start3A_375 = tpu.memref_slice %arg11[%mul3A_362, %dma_start3A_374] : memref<1664x16xf32, #tpu.memory_space<vmem>> -> memref<26x16xf32, #tpu.memory_space<vmem>>
        tpu.enqueue_dma source(%dma_start3A_375 : memref<26x16xf32, #tpu.memory_space<vmem>>) target(%dma_start3A_373 : memref<26x16xf32, #tpu.memory_space<hbm>>) target_semaphore(%run_scoped3A : memref<!tpu.dma_semaphore, #tpu.memory_space<semaphore_mem>>)
        %dma_wait3A_376 = arith.constant 0 : i32
        %dma_wait3A_377 = tpu.memref_slice %arg11[%mul3A_362, %dma_wait3A_376] : memref<1664x16xf32, #tpu.memory_space<vmem>> -> memref<26x16xf32, #tpu.memory_space<vmem>>
        %dma_wait3A_378 = arith.constant 0 : i32
        %dma_wait3A_379 = arith.constant 0 : i32
        %dma_wait3A_380 = tpu.memref_slice %arg5[%add3A_363, %dma_wait3A_378, %dma_wait3A_379] : memref<16384x26x16xf32, #tpu.memory_space<hbm>> -> memref<1x26x16xf32, #tpu.memory_space<hbm>>
        %dma_wait3A_381 = tpu.memref_squeeze %dma_wait3A_380 : memref<1x26x16xf32, #tpu.memory_space<hbm>> -> memref<26x16xf32, #tpu.memory_space<hbm>>
        %dma_wait3A_382 = arith.constant 0 : i32
        %dma_wait3A_383 = arith.constant 0 : i32
        %dma_wait3A_384 = tpu.memref_slice %arg5[%add3A_363, %dma_wait3A_382, %dma_wait3A_383] : memref<16384x26x16xf32, #tpu.memory_space<hbm>> -> memref<1x26x16xf32, #tpu.memory_space<hbm>>
        %dma_wait3A_385 = tpu.memref_squeeze %dma_wait3A_384 : memref<1x26x16xf32, #tpu.memory_space<hbm>> -> memref<26x16xf32, #tpu.memory_space<hbm>>
        %dma_wait3A_386 = arith.constant 0 : i32
        %dma_wait3A_387 = tpu.memref_slice %arg11[%mul3A_362, %dma_wait3A_386] : memref<1664x16xf32, #tpu.memory_space<vmem>> -> memref<26x16xf32, #tpu.memory_space<vmem>>
        tpu.wait_dma2 semaphore(%run_scoped3A : memref<!tpu.dma_semaphore, #tpu.memory_space<semaphore_mem>>) src(%dma_wait3A_387 : memref<26x16xf32, #tpu.memory_space<vmem>>) dst(%dma_wait3A_385 : memref<26x16xf32, #tpu.memory_space<hbm>>)
        tpu.yield
      }) : () -> ()
    }
    %scan3A_94 = arith.constant 64 : i32
    %add3A_95 = arith.constant 4992 : i32
    %add3A_96 = arith.addi %mul3A_2, %add3A_95 : i32
    "tpu.region"() ({
      %run_scoped3A = tpu.sem_alloc : memref<!tpu.dma_semaphore, #tpu.memory_space<semaphore_mem>>
      %dma_start3A_360 = tpu.memref_slice %arg2[%add3A_96] : memref<425984xi32, #tpu.memory_space<hbm>> -> memref<1664xi32, #tpu.memory_space<hbm>>
      %dma_start3A_361 = tpu.memref_slice %arg2[%add3A_96] : memref<425984xi32, #tpu.memory_space<hbm>> -> memref<1664xi32, #tpu.memory_space<hbm>>
      tpu.enqueue_dma source(%dma_start3A_361 : memref<1664xi32, #tpu.memory_space<hbm>>) target(%arg7 : memref<1664xi32, #tpu.memory_space<vmem>>) target_semaphore(%run_scoped3A : memref<!tpu.dma_semaphore, #tpu.memory_space<semaphore_mem>>)
      %dma_wait3A_362 = tpu.memref_slice %arg2[%add3A_96] : memref<425984xi32, #tpu.memory_space<hbm>> -> memref<1664xi32, #tpu.memory_space<hbm>>
      %dma_wait3A_363 = tpu.memref_slice %arg2[%add3A_96] : memref<425984xi32, #tpu.memory_space<hbm>> -> memref<1664xi32, #tpu.memory_space<hbm>>
      tpu.wait_dma2 semaphore(%run_scoped3A : memref<!tpu.dma_semaphore, #tpu.memory_space<semaphore_mem>>) src(%dma_wait3A_363 : memref<1664xi32, #tpu.memory_space<hbm>>) dst(%arg7 : memref<1664xi32, #tpu.memory_space<vmem>>)
      tpu.yield
    }) : () -> ()
    %scan3A_97 = arith.constant 0 : i32
    %scan3A_98 = arith.constant 0 : i32
    %scan3A_99 = arith.constant 104 : i32
    %scan3A_100 = arith.addi %scan3A_98, %scan3A_99 : i32
    %scan3A_101 = arith.constant 1 : i32
    scf.for %scan3A_360 = %scan3A_98 to %scan3A_100 step %scan3A_101  : i32 {
      %rem3A_361 = arith.constant 13 : i32
      %rem3A_362 = arith.remsi %scan3A_360, %rem3A_361 : i32
      %mul3A_363 = arith.constant 16 : i32
      %mul3A_364 = arith.muli %mul3A_363, %rem3A_362 : i32
      %mul3A_365 = arith.constant 16 : i32
      %mul3A_366 = arith.muli %mul3A_365, %scan3A_360 : i32
      %get3A = arith.index_cast %mul3A_366 : i32 to index
      %get3A_367 = tpu.vector_load %arg7[%get3A] {strides = array<i32>} : memref<1664xi32, #tpu.memory_space<vmem>>, vector<16xi32>,
      %get3A_368 = vector.shape_cast %get3A_367 : vector<16xi32> to vector<16xi32>
      %get3A_369 = arith.index_cast %mul3A_364 : i32 to index
      %get3A_370 = tpu.vector_load %arg12[%get3A_369] {strides = array<i32>} : memref<208xi32, #tpu.memory_space<vmem>>, vector<16xi32>,
      %get3A_371 = vector.shape_cast %get3A_370 : vector<16xi32> to vector<16xi32>
      %add3A_372 = arith.addi %get3A_368, %get3A_371 : vector<16xi32>
      %mul3A_373 = arith.constant 16 : i32
      %mul3A_374 = arith.muli %mul3A_373, %scan3A_360 : i32
      %swap3A = arith.index_cast %mul3A_374 : i32 to index
      %swap3A_375 = tpu.vector_load %arg9[%swap3A] {strides = array<i32>} : memref<1664xi32, #tpu.memory_space<vmem>>, vector<16xi32>,
      %swap3A_376 = vector.shape_cast %swap3A_375 : vector<16xi32> to vector<16xi32>
      %swap3A_377 = vector.shape_cast %add3A_372 : vector<16xi32> to vector<16xi32>
      tpu.vector_store %arg9[%swap3A], %swap3A_377 {strides = array<i32>} : memref<1664xi32, #tpu.memory_space<vmem>>, vector<16xi32>,
    }
    %scan3A_102 = arith.constant 104 : i32
    %dma_start3A_103 = arith.constant 0 : i32
    %dma_start3A_104 = arith.constant 0 : i32
    %dma_start3A_105 = tpu.memref_slice %arg4[%dma_start3A_103, %dma_start3A_104] : memref<2600026x16xf32, #tpu.memory_space<hbm>> -> memref<2600026x16xf32, #tpu.memory_space<hbm>>
    tpu.enqueue_indirect_dma source(%dma_start3A_105 : memref<2600026x16xf32, #tpu.memory_space<hbm>>) target(%arg11 : memref<1664x16xf32, #tpu.memory_space<vmem>>) offsets(%arg9 : memref<1664xi32, #tpu.memory_space<vmem>>) semaphore(%arg14 : memref<!tpu.dma_semaphore, #tpu.memory_space<semaphore_mem>>)
    %dma_wait3A_106 = arith.constant 0 : i32
    %dma_wait3A_107 = arith.constant 0 : i32
    %dma_wait3A_108 = tpu.memref_slice %arg4[%dma_wait3A_106, %dma_wait3A_107] : memref<2600026x16xf32, #tpu.memory_space<hbm>> -> memref<2600026x16xf32, #tpu.memory_space<hbm>>
    tpu.wait_indirect_dma semaphore(%arg13 : memref<!tpu.dma_semaphore, #tpu.memory_space<semaphore_mem>>) src(%dma_wait3A_108 : memref<2600026x16xf32, #tpu.memory_space<hbm>>) dst(%arg10 : memref<1664x16xf32, #tpu.memory_space<vmem>>)
    %add3A_109 = arith.constant 3328 : i32
    %add3A_110 = arith.addi %mul3A_2, %add3A_109 : i32
    %jit3A_111 = arith.constant 26 : i32
    %div3A_112 = arith.divsi %add3A_110, %jit3A_111 : i32
    %sign3A_113 = arith.constant 0 : i32
    %sign3A_114 = arith.cmpi sgt, %add3A_110, %sign3A_113 : i32
    %sign3A_115 = arith.extui %sign3A_114 : i1 to i32
    %sign3A_116 = arith.constant 0 : i32
    %sign3A_117 = arith.cmpi slt, %add3A_110, %sign3A_116 : i32
    %sign3A_118 = arith.extui %sign3A_117 : i1 to i32
    %sign3A_119 = arith.subi %sign3A_115, %sign3A_118 : i32
    %sign3A_120 = arith.constant 0 : i32
    %sign3A_121 = arith.cmpi sgt, %jit3A_111, %sign3A_120 : i32
    %sign3A_122 = arith.extui %sign3A_121 : i1 to i32
    %sign3A_123 = arith.constant 0 : i32
    %sign3A_124 = arith.cmpi slt, %jit3A_111, %sign3A_123 : i32
    %sign3A_125 = arith.extui %sign3A_124 : i1 to i32
    %sign3A_126 = arith.subi %sign3A_122, %sign3A_125 : i32
    %ne3A_127 = arith.cmpi ne, %sign3A_119, %sign3A_126 : i32
    %rem3A_128 = arith.remsi %add3A_110, %jit3A_111 : i32
    %ne3A_129 = arith.constant 0 : i32
    %ne3A_130 = arith.cmpi ne, %rem3A_128, %ne3A_129 : i32
    %and3A_131 = arith.andi %ne3A_127, %ne3A_130 : i1
    %sub3A_132 = arith.constant 1 : i32
    %sub3A_133 = arith.subi %div3A_112, %sub3A_132 : i32
    %select_n3A_134 = arith.select %and3A_131, %sub3A_133, %div3A_112 : i32
    %scan3A_135 = arith.constant 0 : i32
    %scan3A_136 = arith.constant 0 : i32
    %scan3A_137 = arith.constant 64 : i32
    %scan3A_138 = arith.addi %scan3A_136, %scan3A_137 : i32
    %scan3A_139 = arith.constant 1 : i32
    scf.for %scan3A_360 = %scan3A_136 to %scan3A_138 step %scan3A_139  : i32 {
      %mul3A_361 = arith.constant 26 : i32
      %mul3A_362 = arith.muli %mul3A_361, %scan3A_360 : i32
      %add3A_363 = arith.addi %select_n3A_134, %scan3A_360 : i32
      "tpu.region"() ({
        %run_scoped3A = tpu.sem_alloc : memref<!tpu.dma_semaphore, #tpu.memory_space<semaphore_mem>>
        %dma_start3A_364 = arith.constant 0 : i32
        %dma_start3A_365 = tpu.memref_slice %arg10[%mul3A_362, %dma_start3A_364] : memref<1664x16xf32, #tpu.memory_space<vmem>> -> memref<26x16xf32, #tpu.memory_space<vmem>>
        %dma_start3A_366 = arith.constant 0 : i32
        %dma_start3A_367 = arith.constant 0 : i32
        %dma_start3A_368 = tpu.memref_slice %arg5[%add3A_363, %dma_start3A_366, %dma_start3A_367] : memref<16384x26x16xf32, #tpu.memory_space<hbm>> -> memref<1x26x16xf32, #tpu.memory_space<hbm>>
        %dma_start3A_369 = tpu.memref_squeeze %dma_start3A_368 : memref<1x26x16xf32, #tpu.memory_space<hbm>> -> memref<26x16xf32, #tpu.memory_space<hbm>>
        %dma_start3A_370 = arith.constant 0 : i32
        %dma_start3A_371 = arith.constant 0 : i32
        %dma_start3A_372 = tpu.memref_slice %arg5[%add3A_363, %dma_start3A_370, %dma_start3A_371] : memref<16384x26x16xf32, #tpu.memory_space<hbm>> -> memref<1x26x16xf32, #tpu.memory_space<hbm>>
        %dma_start3A_373 = tpu.memref_squeeze %dma_start3A_372 : memref<1x26x16xf32, #tpu.memory_space<hbm>> -> memref<26x16xf32, #tpu.memory_space<hbm>>
        %dma_start3A_374 = arith.constant 0 : i32
        %dma_start3A_375 = tpu.memref_slice %arg10[%mul3A_362, %dma_start3A_374] : memref<1664x16xf32, #tpu.memory_space<vmem>> -> memref<26x16xf32, #tpu.memory_space<vmem>>
        tpu.enqueue_dma source(%dma_start3A_375 : memref<26x16xf32, #tpu.memory_space<vmem>>) target(%dma_start3A_373 : memref<26x16xf32, #tpu.memory_space<hbm>>) target_semaphore(%run_scoped3A : memref<!tpu.dma_semaphore, #tpu.memory_space<semaphore_mem>>)
        %dma_wait3A_376 = arith.constant 0 : i32
        %dma_wait3A_377 = tpu.memref_slice %arg10[%mul3A_362, %dma_wait3A_376] : memref<1664x16xf32, #tpu.memory_space<vmem>> -> memref<26x16xf32, #tpu.memory_space<vmem>>
        %dma_wait3A_378 = arith.constant 0 : i32
        %dma_wait3A_379 = arith.constant 0 : i32
        %dma_wait3A_380 = tpu.memref_slice %arg5[%add3A_363, %dma_wait3A_378, %dma_wait3A_379] : memref<16384x26x16xf32, #tpu.memory_space<hbm>> -> memref<1x26x16xf32, #tpu.memory_space<hbm>>
        %dma_wait3A_381 = tpu.memref_squeeze %dma_wait3A_380 : memref<1x26x16xf32, #tpu.memory_space<hbm>> -> memref<26x16xf32, #tpu.memory_space<hbm>>
        %dma_wait3A_382 = arith.constant 0 : i32
        %dma_wait3A_383 = arith.constant 0 : i32
        %dma_wait3A_384 = tpu.memref_slice %arg5[%add3A_363, %dma_wait3A_382, %dma_wait3A_383] : memref<16384x26x16xf32, #tpu.memory_space<hbm>> -> memref<1x26x16xf32, #tpu.memory_space<hbm>>
        %dma_wait3A_385 = tpu.memref_squeeze %dma_wait3A_384 : memref<1x26x16xf32, #tpu.memory_space<hbm>> -> memref<26x16xf32, #tpu.memory_space<hbm>>
        %dma_wait3A_386 = arith.constant 0 : i32
        %dma_wait3A_387 = tpu.memref_slice %arg10[%mul3A_362, %dma_wait3A_386] : memref<1664x16xf32, #tpu.memory_space<vmem>> -> memref<26x16xf32, #tpu.memory_space<vmem>>
        tpu.wait_dma2 semaphore(%run_scoped3A : memref<!tpu.dma_semaphore, #tpu.memory_space<semaphore_mem>>) src(%dma_wait3A_387 : memref<26x16xf32, #tpu.memory_space<vmem>>) dst(%dma_wait3A_385 : memref<26x16xf32, #tpu.memory_space<hbm>>)
        tpu.yield
      }) : () -> ()
    }
    %scan3A_140 = arith.constant 64 : i32
    %add3A_141 = arith.constant 6656 : i32
    %add3A_142 = arith.addi %mul3A_2, %add3A_141 : i32
    "tpu.region"() ({
      %run_scoped3A = tpu.sem_alloc : memref<!tpu.dma_semaphore, #tpu.memory_space<semaphore_mem>>
      %dma_start3A_360 = tpu.memref_slice %arg2[%add3A_142] : memref<425984xi32, #tpu.memory_space<hbm>> -> memref<1664xi32, #tpu.memory_space<hbm>>
      %dma_start3A_361 = tpu.memref_slice %arg2[%add3A_142] : memref<425984xi32, #tpu.memory_space<hbm>> -> memref<1664xi32, #tpu.memory_space<hbm>>
      tpu.enqueue_dma source(%dma_start3A_361 : memref<1664xi32, #tpu.memory_space<hbm>>) target(%arg6 : memref<1664xi32, #tpu.memory_space<vmem>>) target_semaphore(%run_scoped3A : memref<!tpu.dma_semaphore, #tpu.memory_space<semaphore_mem>>)
      %dma_wait3A_362 = tpu.memref_slice %arg2[%add3A_142] : memref<425984xi32, #tpu.memory_space<hbm>> -> memref<1664xi32, #tpu.memory_space<hbm>>
      %dma_wait3A_363 = tpu.memref_slice %arg2[%add3A_142] : memref<425984xi32, #tpu.memory_space<hbm>> -> memref<1664xi32, #tpu.memory_space<hbm>>
      tpu.wait_dma2 semaphore(%run_scoped3A : memref<!tpu.dma_semaphore, #tpu.memory_space<semaphore_mem>>) src(%dma_wait3A_363 : memref<1664xi32, #tpu.memory_space<hbm>>) dst(%arg6 : memref<1664xi32, #tpu.memory_space<vmem>>)
      tpu.yield
    }) : () -> ()
    %scan3A_143 = arith.constant 0 : i32
    %scan3A_144 = arith.constant 0 : i32
    %scan3A_145 = arith.constant 104 : i32
    %scan3A_146 = arith.addi %scan3A_144, %scan3A_145 : i32
    %scan3A_147 = arith.constant 1 : i32
    scf.for %scan3A_360 = %scan3A_144 to %scan3A_146 step %scan3A_147  : i32 {
      %rem3A_361 = arith.constant 13 : i32
      %rem3A_362 = arith.remsi %scan3A_360, %rem3A_361 : i32
      %mul3A_363 = arith.constant 16 : i32
      %mul3A_364 = arith.muli %mul3A_363, %rem3A_362 : i32
      %mul3A_365 = arith.constant 16 : i32
      %mul3A_366 = arith.muli %mul3A_365, %scan3A_360 : i32
      %get3A = arith.index_cast %mul3A_366 : i32 to index
      %get3A_367 = tpu.vector_load %arg6[%get3A] {strides = array<i32>} : memref<1664xi32, #tpu.memory_space<vmem>>, vector<16xi32>,
      %get3A_368 = vector.shape_cast %get3A_367 : vector<16xi32> to vector<16xi32>
      %get3A_369 = arith.index_cast %mul3A_364 : i32 to index
      %get3A_370 = tpu.vector_load %arg12[%get3A_369] {strides = array<i32>} : memref<208xi32, #tpu.memory_space<vmem>>, vector<16xi32>,
      %get3A_371 = vector.shape_cast %get3A_370 : vector<16xi32> to vector<16xi32>
      %add3A_372 = arith.addi %get3A_368, %get3A_371 : vector<16xi32>
      %mul3A_373 = arith.constant 16 : i32
      %mul3A_374 = arith.muli %mul3A_373, %scan3A_360 : i32
      %swap3A = arith.index_cast %mul3A_374 : i32 to index
      %swap3A_375 = tpu.vector_load %arg8[%swap3A] {strides = array<i32>} : memref<1664xi32, #tpu.memory_space<vmem>>, vector<16xi32>,
      %swap3A_376 = vector.shape_cast %swap3A_375 : vector<16xi32> to vector<16xi32>
      %swap3A_377 = vector.shape_cast %add3A_372 : vector<16xi32> to vector<16xi32>
      tpu.vector_store %arg8[%swap3A], %swap3A_377 {strides = array<i32>} : memref<1664xi32, #tpu.memory_space<vmem>>, vector<16xi32>,
    }
    %scan3A_148 = arith.constant 104 : i32
    %dma_start3A_149 = arith.constant 0 : i32
    %dma_start3A_150 = arith.constant 0 : i32
    %dma_start3A_151 = tpu.memref_slice %arg4[%dma_start3A_149, %dma_start3A_150] : memref<2600026x16xf32, #tpu.memory_space<hbm>> -> memref<2600026x16xf32, #tpu.memory_space<hbm>>
    tpu.enqueue_indirect_dma source(%dma_start3A_151 : memref<2600026x16xf32, #tpu.memory_space<hbm>>) target(%arg10 : memref<1664x16xf32, #tpu.memory_space<vmem>>) offsets(%arg8 : memref<1664xi32, #tpu.memory_space<vmem>>) semaphore(%arg13 : memref<!tpu.dma_semaphore, #tpu.memory_space<semaphore_mem>>)
    %dma_wait3A_152 = arith.constant 0 : i32
    %dma_wait3A_153 = arith.constant 0 : i32
    %dma_wait3A_154 = tpu.memref_slice %arg4[%dma_wait3A_152, %dma_wait3A_153] : memref<2600026x16xf32, #tpu.memory_space<hbm>> -> memref<2600026x16xf32, #tpu.memory_space<hbm>>
    tpu.wait_indirect_dma semaphore(%arg14 : memref<!tpu.dma_semaphore, #tpu.memory_space<semaphore_mem>>) src(%dma_wait3A_154 : memref<2600026x16xf32, #tpu.memory_space<hbm>>) dst(%arg11 : memref<1664x16xf32, #tpu.memory_space<vmem>>)
    %add3A_155 = arith.constant 4992 : i32
    %add3A_156 = arith.addi %mul3A_2, %add3A_155 : i32
    %jit3A_157 = arith.constant 26 : i32
    %div3A_158 = arith.divsi %add3A_156, %jit3A_157 : i32
    %sign3A_159 = arith.constant 0 : i32
    %sign3A_160 = arith.cmpi sgt, %add3A_156, %sign3A_159 : i32
    %sign3A_161 = arith.extui %sign3A_160 : i1 to i32
    %sign3A_162 = arith.constant 0 : i32
    %sign3A_163 = arith.cmpi slt, %add3A_156, %sign3A_162 : i32
    %sign3A_164 = arith.extui %sign3A_163 : i1 to i32
    %sign3A_165 = arith.subi %sign3A_161, %sign3A_164 : i32
    %sign3A_166 = arith.constant 0 : i32
    %sign3A_167 = arith.cmpi sgt, %jit3A_157, %sign3A_166 : i32
    %sign3A_168 = arith.extui %sign3A_167 : i1 to i32
    %sign3A_169 = arith.constant 0 : i32
    %sign3A_170 = arith.cmpi slt, %jit3A_157, %sign3A_169 : i32
    %sign3A_171 = arith.extui %sign3A_170 : i1 to i32
    %sign3A_172 = arith.subi %sign3A_168, %sign3A_171 : i32
    %ne3A_173 = arith.cmpi ne, %sign3A_165, %sign3A_172 : i32
    %rem3A_174 = arith.remsi %add3A_156, %jit3A_157 : i32
    %ne3A_175 = arith.constant 0 : i32
    %ne3A_176 = arith.cmpi ne, %rem3A_174, %ne3A_175 : i32
    %and3A_177 = arith.andi %ne3A_173, %ne3A_176 : i1
    %sub3A_178 = arith.constant 1 : i32
    %sub3A_179 = arith.subi %div3A_158, %sub3A_178 : i32
    %select_n3A_180 = arith.select %and3A_177, %sub3A_179, %div3A_158 : i32
    %scan3A_181 = arith.constant 0 : i32
    %scan3A_182 = arith.constant 0 : i32
    %scan3A_183 = arith.constant 64 : i32
    %scan3A_184 = arith.addi %scan3A_182, %scan3A_183 : i32
    %scan3A_185 = arith.constant 1 : i32
    scf.for %scan3A_360 = %scan3A_182 to %scan3A_184 step %scan3A_185  : i32 {
      %mul3A_361 = arith.constant 26 : i32
      %mul3A_362 = arith.muli %mul3A_361, %scan3A_360 : i32
      %add3A_363 = arith.addi %select_n3A_180, %scan3A_360 : i32
      "tpu.region"() ({
        %run_scoped3A = tpu.sem_alloc : memref<!tpu.dma_semaphore, #tpu.memory_space<semaphore_mem>>
        %dma_start3A_364 = arith.constant 0 : i32
        %dma_start3A_365 = tpu.memref_slice %arg11[%mul3A_362, %dma_start3A_364] : memref<1664x16xf32, #tpu.memory_space<vmem>> -> memref<26x16xf32, #tpu.memory_space<vmem>>
        %dma_start3A_366 = arith.constant 0 : i32
        %dma_start3A_367 = arith.constant 0 : i32
        %dma_start3A_368 = tpu.memref_slice %arg5[%add3A_363, %dma_start3A_366, %dma_start3A_367] : memref<16384x26x16xf32, #tpu.memory_space<hbm>> -> memref<1x26x16xf32, #tpu.memory_space<hbm>>
        %dma_start3A_369 = tpu.memref_squeeze %dma_start3A_368 : memref<1x26x16xf32, #tpu.memory_space<hbm>> -> memref<26x16xf32, #tpu.memory_space<hbm>>
        %dma_start3A_370 = arith.constant 0 : i32
        %dma_start3A_371 = arith.constant 0 : i32
        %dma_start3A_372 = tpu.memref_slice %arg5[%add3A_363, %dma_start3A_370, %dma_start3A_371] : memref<16384x26x16xf32, #tpu.memory_space<hbm>> -> memref<1x26x16xf32, #tpu.memory_space<hbm>>
        %dma_start3A_373 = tpu.memref_squeeze %dma_start3A_372 : memref<1x26x16xf32, #tpu.memory_space<hbm>> -> memref<26x16xf32, #tpu.memory_space<hbm>>
        %dma_start3A_374 = arith.constant 0 : i32
        %dma_start3A_375 = tpu.memref_slice %arg11[%mul3A_362, %dma_start3A_374] : memref<1664x16xf32, #tpu.memory_space<vmem>> -> memref<26x16xf32, #tpu.memory_space<vmem>>
        tpu.enqueue_dma source(%dma_start3A_375 : memref<26x16xf32, #tpu.memory_space<vmem>>) target(%dma_start3A_373 : memref<26x16xf32, #tpu.memory_space<hbm>>) target_semaphore(%run_scoped3A : memref<!tpu.dma_semaphore, #tpu.memory_space<semaphore_mem>>)
        %dma_wait3A_376 = arith.constant 0 : i32
        %dma_wait3A_377 = tpu.memref_slice %arg11[%mul3A_362, %dma_wait3A_376] : memref<1664x16xf32, #tpu.memory_space<vmem>> -> memref<26x16xf32, #tpu.memory_space<vmem>>
        %dma_wait3A_378 = arith.constant 0 : i32
        %dma_wait3A_379 = arith.constant 0 : i32
        %dma_wait3A_380 = tpu.memref_slice %arg5[%add3A_363, %dma_wait3A_378, %dma_wait3A_379] : memref<16384x26x16xf32, #tpu.memory_space<hbm>> -> memref<1x26x16xf32, #tpu.memory_space<hbm>>
        %dma_wait3A_381 = tpu.memref_squeeze %dma_wait3A_380 : memref<1x26x16xf32, #tpu.memory_space<hbm>> -> memref<26x16xf32, #tpu.memory_space<hbm>>
        %dma_wait3A_382 = arith.constant 0 : i32
        %dma_wait3A_383 = arith.constant 0 : i32
        %dma_wait3A_384 = tpu.memref_slice %arg5[%add3A_363, %dma_wait3A_382, %dma_wait3A_383] : memref<16384x26x16xf32, #tpu.memory_space<hbm>> -> memref<1x26x16xf32, #tpu.memory_space<hbm>>
        %dma_wait3A_385 = tpu.memref_squeeze %dma_wait3A_384 : memref<1x26x16xf32, #tpu.memory_space<hbm>> -> memref<26x16xf32, #tpu.memory_space<hbm>>
        %dma_wait3A_386 = arith.constant 0 : i32
        %dma_wait3A_387 = tpu.memref_slice %arg11[%mul3A_362, %dma_wait3A_386] : memref<1664x16xf32, #tpu.memory_space<vmem>> -> memref<26x16xf32, #tpu.memory_space<vmem>>
        tpu.wait_dma2 semaphore(%run_scoped3A : memref<!tpu.dma_semaphore, #tpu.memory_space<semaphore_mem>>) src(%dma_wait3A_387 : memref<26x16xf32, #tpu.memory_space<vmem>>) dst(%dma_wait3A_385 : memref<26x16xf32, #tpu.memory_space<hbm>>)
        tpu.yield
      }) : () -> ()
    }
    %scan3A_186 = arith.constant 64 : i32
    %add3A_187 = arith.constant 8320 : i32
    %add3A_188 = arith.addi %mul3A_2, %add3A_187 : i32
    "tpu.region"() ({
      %run_scoped3A = tpu.sem_alloc : memref<!tpu.dma_semaphore, #tpu.memory_space<semaphore_mem>>
      %dma_start3A_360 = tpu.memref_slice %arg2[%add3A_188] : memref<425984xi32, #tpu.memory_space<hbm>> -> memref<1664xi32, #tpu.memory_space<hbm>>
      %dma_start3A_361 = tpu.memref_slice %arg2[%add3A_188] : memref<425984xi32, #tpu.memory_space<hbm>> -> memref<1664xi32, #tpu.memory_space<hbm>>
      tpu.enqueue_dma source(%dma_start3A_361 : memref<1664xi32, #tpu.memory_space<hbm>>) target(%arg7 : memref<1664xi32, #tpu.memory_space<vmem>>) target_semaphore(%run_scoped3A : memref<!tpu.dma_semaphore, #tpu.memory_space<semaphore_mem>>)
      %dma_wait3A_362 = tpu.memref_slice %arg2[%add3A_188] : memref<425984xi32, #tpu.memory_space<hbm>> -> memref<1664xi32, #tpu.memory_space<hbm>>
      %dma_wait3A_363 = tpu.memref_slice %arg2[%add3A_188] : memref<425984xi32, #tpu.memory_space<hbm>> -> memref<1664xi32, #tpu.memory_space<hbm>>
      tpu.wait_dma2 semaphore(%run_scoped3A : memref<!tpu.dma_semaphore, #tpu.memory_space<semaphore_mem>>) src(%dma_wait3A_363 : memref<1664xi32, #tpu.memory_space<hbm>>) dst(%arg7 : memref<1664xi32, #tpu.memory_space<vmem>>)
      tpu.yield
    }) : () -> ()
    %scan3A_189 = arith.constant 0 : i32
    %scan3A_190 = arith.constant 0 : i32
    %scan3A_191 = arith.constant 104 : i32
    %scan3A_192 = arith.addi %scan3A_190, %scan3A_191 : i32
    %scan3A_193 = arith.constant 1 : i32
    scf.for %scan3A_360 = %scan3A_190 to %scan3A_192 step %scan3A_193  : i32 {
      %rem3A_361 = arith.constant 13 : i32
      %rem3A_362 = arith.remsi %scan3A_360, %rem3A_361 : i32
      %mul3A_363 = arith.constant 16 : i32
      %mul3A_364 = arith.muli %mul3A_363, %rem3A_362 : i32
      %mul3A_365 = arith.constant 16 : i32
      %mul3A_366 = arith.muli %mul3A_365, %scan3A_360 : i32
      %get3A = arith.index_cast %mul3A_366 : i32 to index
      %get3A_367 = tpu.vector_load %arg7[%get3A] {strides = array<i32>} : memref<1664xi32, #tpu.memory_space<vmem>>, vector<16xi32>,
      %get3A_368 = vector.shape_cast %get3A_367 : vector<16xi32> to vector<16xi32>
      %get3A_369 = arith.index_cast %mul3A_364 : i32 to index
      %get3A_370 = tpu.vector_load %arg12[%get3A_369] {strides = array<i32>} : memref<208xi32, #tpu.memory_space<vmem>>, vector<16xi32>,
      %get3A_371 = vector.shape_cast %get3A_370 : vector<16xi32> to vector<16xi32>
      %add3A_372 = arith.addi %get3A_368, %get3A_371 : vector<16xi32>
      %mul3A_373 = arith.constant 16 : i32
      %mul3A_374 = arith.muli %mul3A_373, %scan3A_360 : i32
      %swap3A = arith.index_cast %mul3A_374 : i32 to index
      %swap3A_375 = tpu.vector_load %arg9[%swap3A] {strides = array<i32>} : memref<1664xi32, #tpu.memory_space<vmem>>, vector<16xi32>,
      %swap3A_376 = vector.shape_cast %swap3A_375 : vector<16xi32> to vector<16xi32>
      %swap3A_377 = vector.shape_cast %add3A_372 : vector<16xi32> to vector<16xi32>
      tpu.vector_store %arg9[%swap3A], %swap3A_377 {strides = array<i32>} : memref<1664xi32, #tpu.memory_space<vmem>>, vector<16xi32>,
    }
    %scan3A_194 = arith.constant 104 : i32
    %dma_start3A_195 = arith.constant 0 : i32
    %dma_start3A_196 = arith.constant 0 : i32
    %dma_start3A_197 = tpu.memref_slice %arg4[%dma_start3A_195, %dma_start3A_196] : memref<2600026x16xf32, #tpu.memory_space<hbm>> -> memref<2600026x16xf32, #tpu.memory_space<hbm>>
    tpu.enqueue_indirect_dma source(%dma_start3A_197 : memref<2600026x16xf32, #tpu.memory_space<hbm>>) target(%arg11 : memref<1664x16xf32, #tpu.memory_space<vmem>>) offsets(%arg9 : memref<1664xi32, #tpu.memory_space<vmem>>) semaphore(%arg14 : memref<!tpu.dma_semaphore, #tpu.memory_space<semaphore_mem>>)
    %dma_wait3A_198 = arith.constant 0 : i32
    %dma_wait3A_199 = arith.constant 0 : i32
    %dma_wait3A_200 = tpu.memref_slice %arg4[%dma_wait3A_198, %dma_wait3A_199] : memref<2600026x16xf32, #tpu.memory_space<hbm>> -> memref<2600026x16xf32, #tpu.memory_space<hbm>>
    tpu.wait_indirect_dma semaphore(%arg13 : memref<!tpu.dma_semaphore, #tpu.memory_space<semaphore_mem>>) src(%dma_wait3A_200 : memref<2600026x16xf32, #tpu.memory_space<hbm>>) dst(%arg10 : memref<1664x16xf32, #tpu.memory_space<vmem>>)
    %add3A_201 = arith.constant 6656 : i32
    %add3A_202 = arith.addi %mul3A_2, %add3A_201 : i32
    %jit3A_203 = arith.constant 26 : i32
    %div3A_204 = arith.divsi %add3A_202, %jit3A_203 : i32
    %sign3A_205 = arith.constant 0 : i32
    %sign3A_206 = arith.cmpi sgt, %add3A_202, %sign3A_205 : i32
    %sign3A_207 = arith.extui %sign3A_206 : i1 to i32
    %sign3A_208 = arith.constant 0 : i32
    %sign3A_209 = arith.cmpi slt, %add3A_202, %sign3A_208 : i32
    %sign3A_210 = arith.extui %sign3A_209 : i1 to i32
    %sign3A_211 = arith.subi %sign3A_207, %sign3A_210 : i32
    %sign3A_212 = arith.constant 0 : i32
    %sign3A_213 = arith.cmpi sgt, %jit3A_203, %sign3A_212 : i32
    %sign3A_214 = arith.extui %sign3A_213 : i1 to i32
    %sign3A_215 = arith.constant 0 : i32
    %sign3A_216 = arith.cmpi slt, %jit3A_203, %sign3A_215 : i32
    %sign3A_217 = arith.extui %sign3A_216 : i1 to i32
    %sign3A_218 = arith.subi %sign3A_214, %sign3A_217 : i32
    %ne3A_219 = arith.cmpi ne, %sign3A_211, %sign3A_218 : i32
    %rem3A_220 = arith.remsi %add3A_202, %jit3A_203 : i32
    %ne3A_221 = arith.constant 0 : i32
    %ne3A_222 = arith.cmpi ne, %rem3A_220, %ne3A_221 : i32
    %and3A_223 = arith.andi %ne3A_219, %ne3A_222 : i1
    %sub3A_224 = arith.constant 1 : i32
    %sub3A_225 = arith.subi %div3A_204, %sub3A_224 : i32
    %select_n3A_226 = arith.select %and3A_223, %sub3A_225, %div3A_204 : i32
    %scan3A_227 = arith.constant 0 : i32
    %scan3A_228 = arith.constant 0 : i32
    %scan3A_229 = arith.constant 64 : i32
    %scan3A_230 = arith.addi %scan3A_228, %scan3A_229 : i32
    %scan3A_231 = arith.constant 1 : i32
    scf.for %scan3A_360 = %scan3A_228 to %scan3A_230 step %scan3A_231  : i32 {
      %mul3A_361 = arith.constant 26 : i32
      %mul3A_362 = arith.muli %mul3A_361, %scan3A_360 : i32
      %add3A_363 = arith.addi %select_n3A_226, %scan3A_360 : i32
      "tpu.region"() ({
        %run_scoped3A = tpu.sem_alloc : memref<!tpu.dma_semaphore, #tpu.memory_space<semaphore_mem>>
        %dma_start3A_364 = arith.constant 0 : i32
        %dma_start3A_365 = tpu.memref_slice %arg10[%mul3A_362, %dma_start3A_364] : memref<1664x16xf32, #tpu.memory_space<vmem>> -> memref<26x16xf32, #tpu.memory_space<vmem>>
        %dma_start3A_366 = arith.constant 0 : i32
        %dma_start3A_367 = arith.constant 0 : i32
        %dma_start3A_368 = tpu.memref_slice %arg5[%add3A_363, %dma_start3A_366, %dma_start3A_367] : memref<16384x26x16xf32, #tpu.memory_space<hbm>> -> memref<1x26x16xf32, #tpu.memory_space<hbm>>
        %dma_start3A_369 = tpu.memref_squeeze %dma_start3A_368 : memref<1x26x16xf32, #tpu.memory_space<hbm>> -> memref<26x16xf32, #tpu.memory_space<hbm>>
        %dma_start3A_370 = arith.constant 0 : i32
        %dma_start3A_371 = arith.constant 0 : i32
        %dma_start3A_372 = tpu.memref_slice %arg5[%add3A_363, %dma_start3A_370, %dma_start3A_371] : memref<16384x26x16xf32, #tpu.memory_space<hbm>> -> memref<1x26x16xf32, #tpu.memory_space<hbm>>
        %dma_start3A_373 = tpu.memref_squeeze %dma_start3A_372 : memref<1x26x16xf32, #tpu.memory_space<hbm>> -> memref<26x16xf32, #tpu.memory_space<hbm>>
        %dma_start3A_374 = arith.constant 0 : i32
        %dma_start3A_375 = tpu.memref_slice %arg10[%mul3A_362, %dma_start3A_374] : memref<1664x16xf32, #tpu.memory_space<vmem>> -> memref<26x16xf32, #tpu.memory_space<vmem>>
        tpu.enqueue_dma source(%dma_start3A_375 : memref<26x16xf32, #tpu.memory_space<vmem>>) target(%dma_start3A_373 : memref<26x16xf32, #tpu.memory_space<hbm>>) target_semaphore(%run_scoped3A : memref<!tpu.dma_semaphore, #tpu.memory_space<semaphore_mem>>)
        %dma_wait3A_376 = arith.constant 0 : i32
        %dma_wait3A_377 = tpu.memref_slice %arg10[%mul3A_362, %dma_wait3A_376] : memref<1664x16xf32, #tpu.memory_space<vmem>> -> memref<26x16xf32, #tpu.memory_space<vmem>>
        %dma_wait3A_378 = arith.constant 0 : i32
        %dma_wait3A_379 = arith.constant 0 : i32
        %dma_wait3A_380 = tpu.memref_slice %arg5[%add3A_363, %dma_wait3A_378, %dma_wait3A_379] : memref<16384x26x16xf32, #tpu.memory_space<hbm>> -> memref<1x26x16xf32, #tpu.memory_space<hbm>>
        %dma_wait3A_381 = tpu.memref_squeeze %dma_wait3A_380 : memref<1x26x16xf32, #tpu.memory_space<hbm>> -> memref<26x16xf32, #tpu.memory_space<hbm>>
        %dma_wait3A_382 = arith.constant 0 : i32
        %dma_wait3A_383 = arith.constant 0 : i32
        %dma_wait3A_384 = tpu.memref_slice %arg5[%add3A_363, %dma_wait3A_382, %dma_wait3A_383] : memref<16384x26x16xf32, #tpu.memory_space<hbm>> -> memref<1x26x16xf32, #tpu.memory_space<hbm>>
        %dma_wait3A_385 = tpu.memref_squeeze %dma_wait3A_384 : memref<1x26x16xf32, #tpu.memory_space<hbm>> -> memref<26x16xf32, #tpu.memory_space<hbm>>
        %dma_wait3A_386 = arith.constant 0 : i32
        %dma_wait3A_387 = tpu.memref_slice %arg10[%mul3A_362, %dma_wait3A_386] : memref<1664x16xf32, #tpu.memory_space<vmem>> -> memref<26x16xf32, #tpu.memory_space<vmem>>
        tpu.wait_dma2 semaphore(%run_scoped3A : memref<!tpu.dma_semaphore, #tpu.memory_space<semaphore_mem>>) src(%dma_wait3A_387 : memref<26x16xf32, #tpu.memory_space<vmem>>) dst(%dma_wait3A_385 : memref<26x16xf32, #tpu.memory_space<hbm>>)
        tpu.yield
      }) : () -> ()
    }
    %scan3A_232 = arith.constant 64 : i32
    %add3A_233 = arith.constant 9984 : i32
    %add3A_234 = arith.addi %mul3A_2, %add3A_233 : i32
    "tpu.region"() ({
      %run_scoped3A = tpu.sem_alloc : memref<!tpu.dma_semaphore, #tpu.memory_space<semaphore_mem>>
      %dma_start3A_360 = tpu.memref_slice %arg2[%add3A_234] : memref<425984xi32, #tpu.memory_space<hbm>> -> memref<1664xi32, #tpu.memory_space<hbm>>
      %dma_start3A_361 = tpu.memref_slice %arg2[%add3A_234] : memref<425984xi32, #tpu.memory_space<hbm>> -> memref<1664xi32, #tpu.memory_space<hbm>>
      tpu.enqueue_dma source(%dma_start3A_361 : memref<1664xi32, #tpu.memory_space<hbm>>) target(%arg6 : memref<1664xi32, #tpu.memory_space<vmem>>) target_semaphore(%run_scoped3A : memref<!tpu.dma_semaphore, #tpu.memory_space<semaphore_mem>>)
      %dma_wait3A_362 = tpu.memref_slice %arg2[%add3A_234] : memref<425984xi32, #tpu.memory_space<hbm>> -> memref<1664xi32, #tpu.memory_space<hbm>>
      %dma_wait3A_363 = tpu.memref_slice %arg2[%add3A_234] : memref<425984xi32, #tpu.memory_space<hbm>> -> memref<1664xi32, #tpu.memory_space<hbm>>
      tpu.wait_dma2 semaphore(%run_scoped3A : memref<!tpu.dma_semaphore, #tpu.memory_space<semaphore_mem>>) src(%dma_wait3A_363 : memref<1664xi32, #tpu.memory_space<hbm>>) dst(%arg6 : memref<1664xi32, #tpu.memory_space<vmem>>)
      tpu.yield
    }) : () -> ()
    %scan3A_235 = arith.constant 0 : i32
    %scan3A_236 = arith.constant 0 : i32
    %scan3A_237 = arith.constant 104 : i32
    %scan3A_238 = arith.addi %scan3A_236, %scan3A_237 : i32
    %scan3A_239 = arith.constant 1 : i32
    scf.for %scan3A_360 = %scan3A_236 to %scan3A_238 step %scan3A_239  : i32 {
      %rem3A_361 = arith.constant 13 : i32
      %rem3A_362 = arith.remsi %scan3A_360, %rem3A_361 : i32
      %mul3A_363 = arith.constant 16 : i32
      %mul3A_364 = arith.muli %mul3A_363, %rem3A_362 : i32
      %mul3A_365 = arith.constant 16 : i32
      %mul3A_366 = arith.muli %mul3A_365, %scan3A_360 : i32
      %get3A = arith.index_cast %mul3A_366 : i32 to index
      %get3A_367 = tpu.vector_load %arg6[%get3A] {strides = array<i32>} : memref<1664xi32, #tpu.memory_space<vmem>>, vector<16xi32>,
      %get3A_368 = vector.shape_cast %get3A_367 : vector<16xi32> to vector<16xi32>
      %get3A_369 = arith.index_cast %mul3A_364 : i32 to index
      %get3A_370 = tpu.vector_load %arg12[%get3A_369] {strides = array<i32>} : memref<208xi32, #tpu.memory_space<vmem>>, vector<16xi32>,
      %get3A_371 = vector.shape_cast %get3A_370 : vector<16xi32> to vector<16xi32>
      %add3A_372 = arith.addi %get3A_368, %get3A_371 : vector<16xi32>
      %mul3A_373 = arith.constant 16 : i32
      %mul3A_374 = arith.muli %mul3A_373, %scan3A_360 : i32
      %swap3A = arith.index_cast %mul3A_374 : i32 to index
      %swap3A_375 = tpu.vector_load %arg8[%swap3A] {strides = array<i32>} : memref<1664xi32, #tpu.memory_space<vmem>>, vector<16xi32>,
      %swap3A_376 = vector.shape_cast %swap3A_375 : vector<16xi32> to vector<16xi32>
      %swap3A_377 = vector.shape_cast %add3A_372 : vector<16xi32> to vector<16xi32>
      tpu.vector_store %arg8[%swap3A], %swap3A_377 {strides = array<i32>} : memref<1664xi32, #tpu.memory_space<vmem>>, vector<16xi32>,
    }
    %scan3A_240 = arith.constant 104 : i32
    %dma_start3A_241 = arith.constant 0 : i32
    %dma_start3A_242 = arith.constant 0 : i32
    %dma_start3A_243 = tpu.memref_slice %arg4[%dma_start3A_241, %dma_start3A_242] : memref<2600026x16xf32, #tpu.memory_space<hbm>> -> memref<2600026x16xf32, #tpu.memory_space<hbm>>
    tpu.enqueue_indirect_dma source(%dma_start3A_243 : memref<2600026x16xf32, #tpu.memory_space<hbm>>) target(%arg10 : memref<1664x16xf32, #tpu.memory_space<vmem>>) offsets(%arg8 : memref<1664xi32, #tpu.memory_space<vmem>>) semaphore(%arg13 : memref<!tpu.dma_semaphore, #tpu.memory_space<semaphore_mem>>)
    %dma_wait3A_244 = arith.constant 0 : i32
    %dma_wait3A_245 = arith.constant 0 : i32
    %dma_wait3A_246 = tpu.memref_slice %arg4[%dma_wait3A_244, %dma_wait3A_245] : memref<2600026x16xf32, #tpu.memory_space<hbm>> -> memref<2600026x16xf32, #tpu.memory_space<hbm>>
    tpu.wait_indirect_dma semaphore(%arg14 : memref<!tpu.dma_semaphore, #tpu.memory_space<semaphore_mem>>) src(%dma_wait3A_246 : memref<2600026x16xf32, #tpu.memory_space<hbm>>) dst(%arg11 : memref<1664x16xf32, #tpu.memory_space<vmem>>)
    %add3A_247 = arith.constant 8320 : i32
    %add3A_248 = arith.addi %mul3A_2, %add3A_247 : i32
    %jit3A_249 = arith.constant 26 : i32
    %div3A_250 = arith.divsi %add3A_248, %jit3A_249 : i32
    %sign3A_251 = arith.constant 0 : i32
    %sign3A_252 = arith.cmpi sgt, %add3A_248, %sign3A_251 : i32
    %sign3A_253 = arith.extui %sign3A_252 : i1 to i32
    %sign3A_254 = arith.constant 0 : i32
    %sign3A_255 = arith.cmpi slt, %add3A_248, %sign3A_254 : i32
    %sign3A_256 = arith.extui %sign3A_255 : i1 to i32
    %sign3A_257 = arith.subi %sign3A_253, %sign3A_256 : i32
    %sign3A_258 = arith.constant 0 : i32
    %sign3A_259 = arith.cmpi sgt, %jit3A_249, %sign3A_258 : i32
    %sign3A_260 = arith.extui %sign3A_259 : i1 to i32
    %sign3A_261 = arith.constant 0 : i32
    %sign3A_262 = arith.cmpi slt, %jit3A_249, %sign3A_261 : i32
    %sign3A_263 = arith.extui %sign3A_262 : i1 to i32
    %sign3A_264 = arith.subi %sign3A_260, %sign3A_263 : i32
    %ne3A_265 = arith.cmpi ne, %sign3A_257, %sign3A_264 : i32
    %rem3A_266 = arith.remsi %add3A_248, %jit3A_249 : i32
    %ne3A_267 = arith.constant 0 : i32
    %ne3A_268 = arith.cmpi ne, %rem3A_266, %ne3A_267 : i32
    %and3A_269 = arith.andi %ne3A_265, %ne3A_268 : i1
    %sub3A_270 = arith.constant 1 : i32
    %sub3A_271 = arith.subi %div3A_250, %sub3A_270 : i32
    %select_n3A_272 = arith.select %and3A_269, %sub3A_271, %div3A_250 : i32
    %scan3A_273 = arith.constant 0 : i32
    %scan3A_274 = arith.constant 0 : i32
    %scan3A_275 = arith.constant 64 : i32
    %scan3A_276 = arith.addi %scan3A_274, %scan3A_275 : i32
    %scan3A_277 = arith.constant 1 : i32
    scf.for %scan3A_360 = %scan3A_274 to %scan3A_276 step %scan3A_277  : i32 {
      %mul3A_361 = arith.constant 26 : i32
      %mul3A_362 = arith.muli %mul3A_361, %scan3A_360 : i32
      %add3A_363 = arith.addi %select_n3A_272, %scan3A_360 : i32
      "tpu.region"() ({
        %run_scoped3A = tpu.sem_alloc : memref<!tpu.dma_semaphore, #tpu.memory_space<semaphore_mem>>
        %dma_start3A_364 = arith.constant 0 : i32
        %dma_start3A_365 = tpu.memref_slice %arg11[%mul3A_362, %dma_start3A_364] : memref<1664x16xf32, #tpu.memory_space<vmem>> -> memref<26x16xf32, #tpu.memory_space<vmem>>
        %dma_start3A_366 = arith.constant 0 : i32
        %dma_start3A_367 = arith.constant 0 : i32
        %dma_start3A_368 = tpu.memref_slice %arg5[%add3A_363, %dma_start3A_366, %dma_start3A_367] : memref<16384x26x16xf32, #tpu.memory_space<hbm>> -> memref<1x26x16xf32, #tpu.memory_space<hbm>>
        %dma_start3A_369 = tpu.memref_squeeze %dma_start3A_368 : memref<1x26x16xf32, #tpu.memory_space<hbm>> -> memref<26x16xf32, #tpu.memory_space<hbm>>
        %dma_start3A_370 = arith.constant 0 : i32
        %dma_start3A_371 = arith.constant 0 : i32
        %dma_start3A_372 = tpu.memref_slice %arg5[%add3A_363, %dma_start3A_370, %dma_start3A_371] : memref<16384x26x16xf32, #tpu.memory_space<hbm>> -> memref<1x26x16xf32, #tpu.memory_space<hbm>>
        %dma_start3A_373 = tpu.memref_squeeze %dma_start3A_372 : memref<1x26x16xf32, #tpu.memory_space<hbm>> -> memref<26x16xf32, #tpu.memory_space<hbm>>
        %dma_start3A_374 = arith.constant 0 : i32
        %dma_start3A_375 = tpu.memref_slice %arg11[%mul3A_362, %dma_start3A_374] : memref<1664x16xf32, #tpu.memory_space<vmem>> -> memref<26x16xf32, #tpu.memory_space<vmem>>
        tpu.enqueue_dma source(%dma_start3A_375 : memref<26x16xf32, #tpu.memory_space<vmem>>) target(%dma_start3A_373 : memref<26x16xf32, #tpu.memory_space<hbm>>) target_semaphore(%run_scoped3A : memref<!tpu.dma_semaphore, #tpu.memory_space<semaphore_mem>>)
        %dma_wait3A_376 = arith.constant 0 : i32
        %dma_wait3A_377 = tpu.memref_slice %arg11[%mul3A_362, %dma_wait3A_376] : memref<1664x16xf32, #tpu.memory_space<vmem>> -> memref<26x16xf32, #tpu.memory_space<vmem>>
        %dma_wait3A_378 = arith.constant 0 : i32
        %dma_wait3A_379 = arith.constant 0 : i32
        %dma_wait3A_380 = tpu.memref_slice %arg5[%add3A_363, %dma_wait3A_378, %dma_wait3A_379] : memref<16384x26x16xf32, #tpu.memory_space<hbm>> -> memref<1x26x16xf32, #tpu.memory_space<hbm>>
        %dma_wait3A_381 = tpu.memref_squeeze %dma_wait3A_380 : memref<1x26x16xf32, #tpu.memory_space<hbm>> -> memref<26x16xf32, #tpu.memory_space<hbm>>
        %dma_wait3A_382 = arith.constant 0 : i32
        %dma_wait3A_383 = arith.constant 0 : i32
        %dma_wait3A_384 = tpu.memref_slice %arg5[%add3A_363, %dma_wait3A_382, %dma_wait3A_383] : memref<16384x26x16xf32, #tpu.memory_space<hbm>> -> memref<1x26x16xf32, #tpu.memory_space<hbm>>
        %dma_wait3A_385 = tpu.memref_squeeze %dma_wait3A_384 : memref<1x26x16xf32, #tpu.memory_space<hbm>> -> memref<26x16xf32, #tpu.memory_space<hbm>>
        %dma_wait3A_386 = arith.constant 0 : i32
        %dma_wait3A_387 = tpu.memref_slice %arg11[%mul3A_362, %dma_wait3A_386] : memref<1664x16xf32, #tpu.memory_space<vmem>> -> memref<26x16xf32, #tpu.memory_space<vmem>>
        tpu.wait_dma2 semaphore(%run_scoped3A : memref<!tpu.dma_semaphore, #tpu.memory_space<semaphore_mem>>) src(%dma_wait3A_387 : memref<26x16xf32, #tpu.memory_space<vmem>>) dst(%dma_wait3A_385 : memref<26x16xf32, #tpu.memory_space<hbm>>)
        tpu.yield
      }) : () -> ()
    }
    %scan3A_278 = arith.constant 64 : i32
    %add3A_279 = arith.constant 11648 : i32
    %add3A_280 = arith.addi %mul3A_2, %add3A_279 : i32
    "tpu.region"() ({
      %run_scoped3A = tpu.sem_alloc : memref<!tpu.dma_semaphore, #tpu.memory_space<semaphore_mem>>
      %dma_start3A_360 = tpu.memref_slice %arg2[%add3A_280] : memref<425984xi32, #tpu.memory_space<hbm>> -> memref<1664xi32, #tpu.memory_space<hbm>>
      %dma_start3A_361 = tpu.memref_slice %arg2[%add3A_280] : memref<425984xi32, #tpu.memory_space<hbm>> -> memref<1664xi32, #tpu.memory_space<hbm>>
      tpu.enqueue_dma source(%dma_start3A_361 : memref<1664xi32, #tpu.memory_space<hbm>>) target(%arg7 : memref<1664xi32, #tpu.memory_space<vmem>>) target_semaphore(%run_scoped3A : memref<!tpu.dma_semaphore, #tpu.memory_space<semaphore_mem>>)
      %dma_wait3A_362 = tpu.memref_slice %arg2[%add3A_280] : memref<425984xi32, #tpu.memory_space<hbm>> -> memref<1664xi32, #tpu.memory_space<hbm>>
      %dma_wait3A_363 = tpu.memref_slice %arg2[%add3A_280] : memref<425984xi32, #tpu.memory_space<hbm>> -> memref<1664xi32, #tpu.memory_space<hbm>>
      tpu.wait_dma2 semaphore(%run_scoped3A : memref<!tpu.dma_semaphore, #tpu.memory_space<semaphore_mem>>) src(%dma_wait3A_363 : memref<1664xi32, #tpu.memory_space<hbm>>) dst(%arg7 : memref<1664xi32, #tpu.memory_space<vmem>>)
      tpu.yield
    }) : () -> ()
    %scan3A_281 = arith.constant 0 : i32
    %scan3A_282 = arith.constant 0 : i32
    %scan3A_283 = arith.constant 104 : i32
    %scan3A_284 = arith.addi %scan3A_282, %scan3A_283 : i32
    %scan3A_285 = arith.constant 1 : i32
    scf.for %scan3A_360 = %scan3A_282 to %scan3A_284 step %scan3A_285  : i32 {
      %rem3A_361 = arith.constant 13 : i32
      %rem3A_362 = arith.remsi %scan3A_360, %rem3A_361 : i32
      %mul3A_363 = arith.constant 16 : i32
      %mul3A_364 = arith.muli %mul3A_363, %rem3A_362 : i32
      %mul3A_365 = arith.constant 16 : i32
      %mul3A_366 = arith.muli %mul3A_365, %scan3A_360 : i32
      %get3A = arith.index_cast %mul3A_366 : i32 to index
      %get3A_367 = tpu.vector_load %arg7[%get3A] {strides = array<i32>} : memref<1664xi32, #tpu.memory_space<vmem>>, vector<16xi32>,
      %get3A_368 = vector.shape_cast %get3A_367 : vector<16xi32> to vector<16xi32>
      %get3A_369 = arith.index_cast %mul3A_364 : i32 to index
      %get3A_370 = tpu.vector_load %arg12[%get3A_369] {strides = array<i32>} : memref<208xi32, #tpu.memory_space<vmem>>, vector<16xi32>,
      %get3A_371 = vector.shape_cast %get3A_370 : vector<16xi32> to vector<16xi32>
      %add3A_372 = arith.addi %get3A_368, %get3A_371 : vector<16xi32>
      %mul3A_373 = arith.constant 16 : i32
      %mul3A_374 = arith.muli %mul3A_373, %scan3A_360 : i32
      %swap3A = arith.index_cast %mul3A_374 : i32 to index
      %swap3A_375 = tpu.vector_load %arg9[%swap3A] {strides = array<i32>} : memref<1664xi32, #tpu.memory_space<vmem>>, vector<16xi32>,
      %swap3A_376 = vector.shape_cast %swap3A_375 : vector<16xi32> to vector<16xi32>
      %swap3A_377 = vector.shape_cast %add3A_372 : vector<16xi32> to vector<16xi32>
      tpu.vector_store %arg9[%swap3A], %swap3A_377 {strides = array<i32>} : memref<1664xi32, #tpu.memory_space<vmem>>, vector<16xi32>,
    }
    %scan3A_286 = arith.constant 104 : i32
    %dma_start3A_287 = arith.constant 0 : i32
    %dma_start3A_288 = arith.constant 0 : i32
    %dma_start3A_289 = tpu.memref_slice %arg4[%dma_start3A_287, %dma_start3A_288] : memref<2600026x16xf32, #tpu.memory_space<hbm>> -> memref<2600026x16xf32, #tpu.memory_space<hbm>>
    tpu.enqueue_indirect_dma source(%dma_start3A_289 : memref<2600026x16xf32, #tpu.memory_space<hbm>>) target(%arg11 : memref<1664x16xf32, #tpu.memory_space<vmem>>) offsets(%arg9 : memref<1664xi32, #tpu.memory_space<vmem>>) semaphore(%arg14 : memref<!tpu.dma_semaphore, #tpu.memory_space<semaphore_mem>>)
    %dma_wait3A_290 = arith.constant 0 : i32
    %dma_wait3A_291 = arith.constant 0 : i32
    %dma_wait3A_292 = tpu.memref_slice %arg4[%dma_wait3A_290, %dma_wait3A_291] : memref<2600026x16xf32, #tpu.memory_space<hbm>> -> memref<2600026x16xf32, #tpu.memory_space<hbm>>
    tpu.wait_indirect_dma semaphore(%arg13 : memref<!tpu.dma_semaphore, #tpu.memory_space<semaphore_mem>>) src(%dma_wait3A_292 : memref<2600026x16xf32, #tpu.memory_space<hbm>>) dst(%arg10 : memref<1664x16xf32, #tpu.memory_space<vmem>>)
    %add3A_293 = arith.constant 9984 : i32
    %add3A_294 = arith.addi %mul3A_2, %add3A_293 : i32
    %jit3A_295 = arith.constant 26 : i32
    %div3A_296 = arith.divsi %add3A_294, %jit3A_295 : i32
    %sign3A_297 = arith.constant 0 : i32
    %sign3A_298 = arith.cmpi sgt, %add3A_294, %sign3A_297 : i32
    %sign3A_299 = arith.extui %sign3A_298 : i1 to i32
    %sign3A_300 = arith.constant 0 : i32
    %sign3A_301 = arith.cmpi slt, %add3A_294, %sign3A_300 : i32
    %sign3A_302 = arith.extui %sign3A_301 : i1 to i32
    %sign3A_303 = arith.subi %sign3A_299, %sign3A_302 : i32
    %sign3A_304 = arith.constant 0 : i32
    %sign3A_305 = arith.cmpi sgt, %jit3A_295, %sign3A_304 : i32
    %sign3A_306 = arith.extui %sign3A_305 : i1 to i32
    %sign3A_307 = arith.constant 0 : i32
    %sign3A_308 = arith.cmpi slt, %jit3A_295, %sign3A_307 : i32
    %sign3A_309 = arith.extui %sign3A_308 : i1 to i32
    %sign3A_310 = arith.subi %sign3A_306, %sign3A_309 : i32
    %ne3A_311 = arith.cmpi ne, %sign3A_303, %sign3A_310 : i32
    %rem3A_312 = arith.remsi %add3A_294, %jit3A_295 : i32
    %ne3A_313 = arith.constant 0 : i32
    %ne3A_314 = arith.cmpi ne, %rem3A_312, %ne3A_313 : i32
    %and3A_315 = arith.andi %ne3A_311, %ne3A_314 : i1
    %sub3A_316 = arith.constant 1 : i32
    %sub3A_317 = arith.subi %div3A_296, %sub3A_316 : i32
    %select_n3A_318 = arith.select %and3A_315, %sub3A_317, %div3A_296 : i32
    %scan3A_319 = arith.constant 0 : i32
    %scan3A_320 = arith.constant 0 : i32
    %scan3A_321 = arith.constant 64 : i32
    %scan3A_322 = arith.addi %scan3A_320, %scan3A_321 : i32
    %scan3A_323 = arith.constant 1 : i32
    scf.for %scan3A_360 = %scan3A_320 to %scan3A_322 step %scan3A_323  : i32 {
      %mul3A_361 = arith.constant 26 : i32
      %mul3A_362 = arith.muli %mul3A_361, %scan3A_360 : i32
      %add3A_363 = arith.addi %select_n3A_318, %scan3A_360 : i32
      "tpu.region"() ({
        %run_scoped3A = tpu.sem_alloc : memref<!tpu.dma_semaphore, #tpu.memory_space<semaphore_mem>>
        %dma_start3A_364 = arith.constant 0 : i32
        %dma_start3A_365 = tpu.memref_slice %arg10[%mul3A_362, %dma_start3A_364] : memref<1664x16xf32, #tpu.memory_space<vmem>> -> memref<26x16xf32, #tpu.memory_space<vmem>>
        %dma_start3A_366 = arith.constant 0 : i32
        %dma_start3A_367 = arith.constant 0 : i32
        %dma_start3A_368 = tpu.memref_slice %arg5[%add3A_363, %dma_start3A_366, %dma_start3A_367] : memref<16384x26x16xf32, #tpu.memory_space<hbm>> -> memref<1x26x16xf32, #tpu.memory_space<hbm>>
        %dma_start3A_369 = tpu.memref_squeeze %dma_start3A_368 : memref<1x26x16xf32, #tpu.memory_space<hbm>> -> memref<26x16xf32, #tpu.memory_space<hbm>>
        %dma_start3A_370 = arith.constant 0 : i32
        %dma_start3A_371 = arith.constant 0 : i32
        %dma_start3A_372 = tpu.memref_slice %arg5[%add3A_363, %dma_start3A_370, %dma_start3A_371] : memref<16384x26x16xf32, #tpu.memory_space<hbm>> -> memref<1x26x16xf32, #tpu.memory_space<hbm>>
        %dma_start3A_373 = tpu.memref_squeeze %dma_start3A_372 : memref<1x26x16xf32, #tpu.memory_space<hbm>> -> memref<26x16xf32, #tpu.memory_space<hbm>>
        %dma_start3A_374 = arith.constant 0 : i32
        %dma_start3A_375 = tpu.memref_slice %arg10[%mul3A_362, %dma_start3A_374] : memref<1664x16xf32, #tpu.memory_space<vmem>> -> memref<26x16xf32, #tpu.memory_space<vmem>>
        tpu.enqueue_dma source(%dma_start3A_375 : memref<26x16xf32, #tpu.memory_space<vmem>>) target(%dma_start3A_373 : memref<26x16xf32, #tpu.memory_space<hbm>>) target_semaphore(%run_scoped3A : memref<!tpu.dma_semaphore, #tpu.memory_space<semaphore_mem>>)
        %dma_wait3A_376 = arith.constant 0 : i32
        %dma_wait3A_377 = tpu.memref_slice %arg10[%mul3A_362, %dma_wait3A_376] : memref<1664x16xf32, #tpu.memory_space<vmem>> -> memref<26x16xf32, #tpu.memory_space<vmem>>
        %dma_wait3A_378 = arith.constant 0 : i32
        %dma_wait3A_379 = arith.constant 0 : i32
        %dma_wait3A_380 = tpu.memref_slice %arg5[%add3A_363, %dma_wait3A_378, %dma_wait3A_379] : memref<16384x26x16xf32, #tpu.memory_space<hbm>> -> memref<1x26x16xf32, #tpu.memory_space<hbm>>
        %dma_wait3A_381 = tpu.memref_squeeze %dma_wait3A_380 : memref<1x26x16xf32, #tpu.memory_space<hbm>> -> memref<26x16xf32, #tpu.memory_space<hbm>>
        %dma_wait3A_382 = arith.constant 0 : i32
        %dma_wait3A_383 = arith.constant 0 : i32
        %dma_wait3A_384 = tpu.memref_slice %arg5[%add3A_363, %dma_wait3A_382, %dma_wait3A_383] : memref<16384x26x16xf32, #tpu.memory_space<hbm>> -> memref<1x26x16xf32, #tpu.memory_space<hbm>>
        %dma_wait3A_385 = tpu.memref_squeeze %dma_wait3A_384 : memref<1x26x16xf32, #tpu.memory_space<hbm>> -> memref<26x16xf32, #tpu.memory_space<hbm>>
        %dma_wait3A_386 = arith.constant 0 : i32
        %dma_wait3A_387 = tpu.memref_slice %arg10[%mul3A_362, %dma_wait3A_386] : memref<1664x16xf32, #tpu.memory_space<vmem>> -> memref<26x16xf32, #tpu.memory_space<vmem>>
        tpu.wait_dma2 semaphore(%run_scoped3A : memref<!tpu.dma_semaphore, #tpu.memory_space<semaphore_mem>>) src(%dma_wait3A_387 : memref<26x16xf32, #tpu.memory_space<vmem>>) dst(%dma_wait3A_385 : memref<26x16xf32, #tpu.memory_space<hbm>>)
        tpu.yield
      }) : () -> ()
    }
    %scan3A_324 = arith.constant 64 : i32
    %dma_wait3A_325 = arith.constant 0 : i32
    %dma_wait3A_326 = arith.constant 0 : i32
    %dma_wait3A_327 = tpu.memref_slice %arg4[%dma_wait3A_325, %dma_wait3A_326] : memref<2600026x16xf32, #tpu.memory_space<hbm>> -> memref<2600026x16xf32, #tpu.memory_space<hbm>>
    tpu.wait_indirect_dma semaphore(%arg14 : memref<!tpu.dma_semaphore, #tpu.memory_space<semaphore_mem>>) src(%dma_wait3A_327 : memref<2600026x16xf32, #tpu.memory_space<hbm>>) dst(%arg11 : memref<1664x16xf32, #tpu.memory_space<vmem>>)
    %add3A_328 = arith.constant 11648 : i32
    %add3A_329 = arith.addi %mul3A_2, %add3A_328 : i32
    %jit3A_330 = arith.constant 26 : i32
    %div3A_331 = arith.divsi %add3A_329, %jit3A_330 : i32
    %sign3A_332 = arith.constant 0 : i32
    %sign3A_333 = arith.cmpi sgt, %add3A_329, %sign3A_332 : i32
    %sign3A_334 = arith.extui %sign3A_333 : i1 to i32
    %sign3A_335 = arith.constant 0 : i32
    %sign3A_336 = arith.cmpi slt, %add3A_329, %sign3A_335 : i32
    %sign3A_337 = arith.extui %sign3A_336 : i1 to i32
    %sign3A_338 = arith.subi %sign3A_334, %sign3A_337 : i32
    %sign3A_339 = arith.constant 0 : i32
    %sign3A_340 = arith.cmpi sgt, %jit3A_330, %sign3A_339 : i32
    %sign3A_341 = arith.extui %sign3A_340 : i1 to i32
    %sign3A_342 = arith.constant 0 : i32
    %sign3A_343 = arith.cmpi slt, %jit3A_330, %sign3A_342 : i32
    %sign3A_344 = arith.extui %sign3A_343 : i1 to i32
    %sign3A_345 = arith.subi %sign3A_341, %sign3A_344 : i32
    %ne3A_346 = arith.cmpi ne, %sign3A_338, %sign3A_345 : i32
    %rem3A_347 = arith.remsi %add3A_329, %jit3A_330 : i32
    %ne3A_348 = arith.constant 0 : i32
    %ne3A_349 = arith.cmpi ne, %rem3A_347, %ne3A_348 : i32
    %and3A_350 = arith.andi %ne3A_346, %ne3A_349 : i1
    %sub3A_351 = arith.constant 1 : i32
    %sub3A_352 = arith.subi %div3A_331, %sub3A_351 : i32
    %select_n3A_353 = arith.select %and3A_350, %sub3A_352, %div3A_331 : i32
    %scan3A_354 = arith.constant 0 : i32
    %scan3A_355 = arith.constant 0 : i32
    %scan3A_356 = arith.constant 64 : i32
    %scan3A_357 = arith.addi %scan3A_355, %scan3A_356 : i32
    %scan3A_358 = arith.constant 1 : i32
    scf.for %scan3A_360 = %scan3A_355 to %scan3A_357 step %scan3A_358  : i32 {
      %mul3A_361 = arith.constant 26 : i32
      %mul3A_362 = arith.muli %mul3A_361, %scan3A_360 : i32
      %add3A_363 = arith.addi %select_n3A_353, %scan3A_360 : i32
      "tpu.region"() ({
        %run_scoped3A = tpu.sem_alloc : memref<!tpu.dma_semaphore, #tpu.memory_space<semaphore_mem>>
        %dma_start3A_364 = arith.constant 0 : i32
        %dma_start3A_365 = tpu.memref_slice %arg11[%mul3A_362, %dma_start3A_364] : memref<1664x16xf32, #tpu.memory_space<vmem>> -> memref<26x16xf32, #tpu.memory_space<vmem>>
        %dma_start3A_366 = arith.constant 0 : i32
        %dma_start3A_367 = arith.constant 0 : i32
        %dma_start3A_368 = tpu.memref_slice %arg5[%add3A_363, %dma_start3A_366, %dma_start3A_367] : memref<16384x26x16xf32, #tpu.memory_space<hbm>> -> memref<1x26x16xf32, #tpu.memory_space<hbm>>
        %dma_start3A_369 = tpu.memref_squeeze %dma_start3A_368 : memref<1x26x16xf32, #tpu.memory_space<hbm>> -> memref<26x16xf32, #tpu.memory_space<hbm>>
        %dma_start3A_370 = arith.constant 0 : i32
        %dma_start3A_371 = arith.constant 0 : i32
        %dma_start3A_372 = tpu.memref_slice %arg5[%add3A_363, %dma_start3A_370, %dma_start3A_371] : memref<16384x26x16xf32, #tpu.memory_space<hbm>> -> memref<1x26x16xf32, #tpu.memory_space<hbm>>
        %dma_start3A_373 = tpu.memref_squeeze %dma_start3A_372 : memref<1x26x16xf32, #tpu.memory_space<hbm>> -> memref<26x16xf32, #tpu.memory_space<hbm>>
        %dma_start3A_374 = arith.constant 0 : i32
        %dma_start3A_375 = tpu.memref_slice %arg11[%mul3A_362, %dma_start3A_374] : memref<1664x16xf32, #tpu.memory_space<vmem>> -> memref<26x16xf32, #tpu.memory_space<vmem>>
        tpu.enqueue_dma source(%dma_start3A_375 : memref<26x16xf32, #tpu.memory_space<vmem>>) target(%dma_start3A_373 : memref<26x16xf32, #tpu.memory_space<hbm>>) target_semaphore(%run_scoped3A : memref<!tpu.dma_semaphore, #tpu.memory_space<semaphore_mem>>)
        %dma_wait3A_376 = arith.constant 0 : i32
        %dma_wait3A_377 = tpu.memref_slice %arg11[%mul3A_362, %dma_wait3A_376] : memref<1664x16xf32, #tpu.memory_space<vmem>> -> memref<26x16xf32, #tpu.memory_space<vmem>>
        %dma_wait3A_378 = arith.constant 0 : i32
        %dma_wait3A_379 = arith.constant 0 : i32
        %dma_wait3A_380 = tpu.memref_slice %arg5[%add3A_363, %dma_wait3A_378, %dma_wait3A_379] : memref<16384x26x16xf32, #tpu.memory_space<hbm>> -> memref<1x26x16xf32, #tpu.memory_space<hbm>>
        %dma_wait3A_381 = tpu.memref_squeeze %dma_wait3A_380 : memref<1x26x16xf32, #tpu.memory_space<hbm>> -> memref<26x16xf32, #tpu.memory_space<hbm>>
        %dma_wait3A_382 = arith.constant 0 : i32
        %dma_wait3A_383 = arith.constant 0 : i32
        %dma_wait3A_384 = tpu.memref_slice %arg5[%add3A_363, %dma_wait3A_382, %dma_wait3A_383] : memref<16384x26x16xf32, #tpu.memory_space<hbm>> -> memref<1x26x16xf32, #tpu.memory_space<hbm>>
        %dma_wait3A_385 = tpu.memref_squeeze %dma_wait3A_384 : memref<1x26x16xf32, #tpu.memory_space<hbm>> -> memref<26x16xf32, #tpu.memory_space<hbm>>
        %dma_wait3A_386 = arith.constant 0 : i32
        %dma_wait3A_387 = tpu.memref_slice %arg11[%mul3A_362, %dma_wait3A_386] : memref<1664x16xf32, #tpu.memory_space<vmem>> -> memref<26x16xf32, #tpu.memory_space<vmem>>
        tpu.wait_dma2 semaphore(%run_scoped3A : memref<!tpu.dma_semaphore, #tpu.memory_space<semaphore_mem>>) src(%dma_wait3A_387 : memref<26x16xf32, #tpu.memory_space<vmem>>) dst(%dma_wait3A_385 : memref<26x16xf32, #tpu.memory_space<hbm>>)
        tpu.yield
      }) : () -> ()
    }
    %scan3A_359 = arith.constant 64 : i32
    return
  }
}

</mosaic_0001>

<sc_bundles>
// kernel: kernel.3.cloned.1.call-start
scs
__scs_entry_jumppad:
0x0: {  	(pc) =	sbr.rel $0x88, $3  }
0x1: {  	(tag) =	ssettag $0x0;
	lr =	simm.s32 $0x1  }
0x2: {  	[smem:$0x3F9E] =	sst lr;
	_ =	strace $0xD0000000  }
0x3: {  	_ = 	snop  }
0x4: {  	_ = 	snop  }
0x5: {  	_ = 	snop  }
0x6: {  	_ = 	snop  }
0x7: {  	_ = 	snop  }
__scs_overlays_trampoline_lowered:
0x8: {  	[smem:$0x3FAD] =	sst s0  }
0x9: {  	[smem:$0x3FAE] =	sst s1  }
0xa: {  	[smem:$0x3FAF] =	sst s2  }
0xb: {  	[smem:$0x3FB0] =	sst s3  }
0xc: {  	[smem:$0x3FB1] =	sst s4  }
0xd: {  	[smem:$0x3FB2] =	sst s5  }
0xe: {  	[smem:$0x3FB3] =	sst s6  }
0xf: {  	[smem:$0x3FB4] =	sst s7  }
0x10: {  	[smem:$0x3FB5] =	sst s8  }
0x11: {  	[smem:$0x3FB6] =	sst s9;
	s0 =	simm.s32 @!p0 $0x0  }
0x12: {  	s1 =	sld [smem:$0x3F9C];
	s0 =	simm.s32 @p0 $0x1  }
0x13: {  	[smem:$0x3FB7] =	sst s0;
	s0 =	simm.s32 @!p1 $0x0  }
0x14: {  	s2 =	sld [smem:$0x3F9B];
	s0 =	simm.s32 @p1 $0x1  }
0x15: {  	[smem:$0x3FB8] =	sst s0;
	s0 =	simm.s32 @!p2 $0x0  }
0x16: {  	s3 =	sld [smem:$0x3FDB];
	s0 =	simm.s32 @p2 $0x1  }
0x17: {  	s4 =	simm.s32 $0x1BF5;
	[smem:$0x3FBA] =	sst s0  }
0x18: {  	s0 =	sld [smem:$0x3F9D];
	_ =	swait.ge [sflag:s4], $0x0  }
0x19: {  	s7 =	sld [smem:$0x3F9E]  }
0x1a: {  	s8 =	sadd.s32 $0xFFFFE003, lr  }
0x1b: {  	s9 =	sadd.s32 $0xFFFFFEF7, lr;
	s5 =	simm.s32 $0xFFFFFFFF;
	p2 =	slt.u32 s8, $0xFFFFF086  }
0x1c: {  	p1 =	slt.u32 s9, $0xF7A;
	s5 =	simm.s32 @!p2 $0x0  }
0x1d: {  	s5 =	simm.s32 @p1 $0x1;
	p0 =	seq.s32 s7, s2  }
0x1e: {  	s7 =	smul.u32 @!p0 $0xF7A, s2;
	p2 =	seq.s32 @!p0 s5, $0x0  }
0x1f: {  	s9 =	smul.u32 $0xF7A, s1;
	s8 =	simm.s32 @!p0 $0x1BF5;
	p2 =	por !p2, p0  }
0x20: {  	[sflag:s8] =	ssyncset.s32 @!p0 $0xFFFFF086;
	s6 =	sadd.s32 @!p0 s3, s7;
	s7 =	simm.s32 @!p0 $0x108  }
0x21: {  	s3 =	sadd.s32 s3, s9;
	s6 =	sadd.s32 @!p0 $0x88, s6;
	s7 =	simm.s32 @p2 $0x1082  }
0x22: {  	[simem:s7], [sflag:s8] =	dma.local @!p0 [hbm:s6], $0xF7A  }
0x23: {  	s9 =	sor.u32 $0xD0000000, s2;
	s6 =	simm.s32 $0x108;
	_ =	swait.ge @!p0 [sflag:s8], $0x0  }
0x24: {  	s3 =	sadd.s32 $0x88, s3;
	s6 =	simm.s32 @!p1 $0x1082;
	[sflag:s4] =	ssyncset.s32 $0xFFFFF086  }
0x25: {  	[simem:s6], [sflag:s4] =	dma.local [hbm:s3], $0xF7A  }
0x26: {  	[smem:$0x3F9E] =	sst s1;
	(tag) =	ssettag s2;
	_ =	strace s9  }
0x27: {  	s1 =	sld [smem:$0x3FAE]  }
0x28: {  	s2 =	sld [smem:$0x3FAF]  }
0x29: {  	s4 =	sld [smem:$0x3FB1]  }
0x2a: {  	p0 =	seq.s32 s5, $0x0;
	s5 =	sld [smem:$0x3FB2]  }
0x2b: {  	s6 =	sld [smem:$0x3FB3]  }
0x2c: {  	s7 =	sld [smem:$0x3FB4]  }
0x2d: {  	s3 =	simm.s32 $0x108;
	s8 =	sld [smem:$0x3FB5]  }
0x2e: {  	s3 =	simm.s32 @!p0 $0x1082;
	s9 =	sld [smem:$0x3FB6]  }
0x2f: {  	lr =	sadd.s32 s0, s3;
	s0 =	sld [smem:$0x3FAD]  }
0x30: {  	s3 =	sld [smem:$0x3FB0]  }
0x31: {  	[smem:$0x3FB9] =	sst s10  }
0x32: {  	s10 =	sld [smem:$0x3FB7];
	_ =	sdelay $0x3  }
0x33: {  	p0 =	seq.s32 s10, $0x1;
	s10 =	sld [smem:$0x3FB9];
	_ =	sdelay $0x3  }
0x34: {  	[smem:$0x3FB9] =	sst s10  }
0x35: {  	s10 =	sld [smem:$0x3FB8];
	_ =	sdelay $0x3  }
0x36: {  	p1 =	seq.s32 s10, $0x1;
	s10 =	sld [smem:$0x3FB9];
	_ =	sdelay $0x3  }
0x37: {  	[smem:$0x3FB9] =	sst s10  }
0x38: {  	s10 =	sld [smem:$0x3FBA]  }
0x39: {  	_ = 	snop;
	(pc) =	sbr.ind lr, $3  }
0x3a: {  	_ = 	snop  }
0x3b: {  	_ = 	snop  }
0x3c: {  	p2 =	seq.s32 s10, $0x1;
	s10 =	sld [smem:$0x3FB9]  }
0x3d: {  	_ =	shalt  }
0x3e: {  	_ =	shalt  }
0x3f: {  	_ =	shalt  }
0x40: {  	_ =	shalt  }
0x41: {  	_ =	shalt  }
0x42: {  	_ =	shalt  }
0x43: {  	_ =	shalt  }
0x44: {  	_ =	shalt  }
0x45: {  	_ =	shalt  }
0x46: {  	_ =	shalt  }
0x47: {  	_ =	shalt  }
0x48: {  	_ =	shalt  }
0x49: {  	_ =	shalt  }
0x4a: {  	_ =	shalt  }
0x4b: {  	_ =	shalt  }
0x4c: {  	_ =	shalt  }
0x4d: {  	_ =	shalt  }
0x4e: {  	_ =	shalt  }
0x4f: {  	_ =	shalt  }
0x50: {  	_ =	shalt  }
0x51: {  	_ =	shalt  }
0x52: {  	_ =	shalt  }
0x53: {  	_ =	shalt  }
0x54: {  	_ =	shalt  }
0x55: {  	_ =	shalt  }
0x56: {  	_ =	shalt  }
0x57: {  	_ =	shalt  }
0x58: {  	_ =	shalt  }
0x59: {  	_ =	shalt  }
0x5a: {  	_ =	shalt  }
0x5b: {  	_ =	shalt  }
0x5c: {  	_ =	shalt  }
0x5d: {  	_ =	shalt  }
0x5e: {  	_ =	shalt  }
0x5f: {  	_ =	shalt  }
0x60: {  	_ =	shalt  }
0x61: {  	_ =	shalt  }
0x62: {  	_ =	shalt  }
0x63: {  	_ =	shalt  }
0x64: {  	_ =	shalt  }
0x65: {  	_ =	shalt  }
0x66: {  	_ =	shalt  }
0x67: {  	_ =	shalt  }
0x68: {  	_ =	shalt  }
0x69: {  	_ =	shalt  }
0x6a: {  	_ =	shalt  }
0x6b: {  	_ =	shalt  }
0x6c: {  	_ =	shalt  }
0x6d: {  	_ =	shalt  }
0x6e: {  	_ =	shalt  }
0x6f: {  	_ =	shalt  }
0x70: {  	_ =	shalt  }
0x71: {  	_ =	shalt  }
0x72: {  	_ =	shalt  }
0x73: {  	_ =	shalt  }
0x74: {  	_ =	shalt  }
0x75: {  	_ =	shalt  }
0x76: {  	_ =	shalt  }
0x77: {  	_ =	shalt  }
0x78: {  	_ =	shalt  }
0x79: {  	_ =	shalt  }
0x7a: {  	_ =	shalt  }
0x7b: {  	_ =	shalt  }
0x7c: {  	_ =	shalt  }
0x7d: {  	_ =	shalt  }
0x7e: {  	_ =	shalt  }
0x7f: {  	_ =	shalt  }
0x80: {  	_ =	shalt  }
0x81: {  	_ =	shalt  }
0x82: {  	_ =	shalt  }
0x83: {  	_ =	shalt  }
0x84: {  	_ =	shalt  }
0x85: {  	_ =	shalt  }
0x86: {  	_ =	shalt  }
0x87: {  	_ =	shalt  }
.Lfunc_end0:
.L_simem_size_0:
called_computation_lowered:
.L_overlay_start_0:
0x88: {  	s2 =	sld [smem:$0x3FD9]  }
0x89: {  	s3 =	sld [smem:$0x3FFE];
	_ =	sdelay $0x1  }
0x8a: {  	s1 =	srdreg.scid  }
0x8b: {  	s0 =	sand.u32 $0x1, s1  }
0x8c: {  	s17 =	sshll.u32 s0, $0xA;
	s2 =	sadd.s32 s3, s2  }
0x8d: {  	s2 =	sadd.s32 s2, s17  }
0x8e: {  	[smem:$0x3FC5] =	sst s2  }
0x8f: {  	_ = 	snop  }
0x90: {  	s2 =	sld [smem:$0x3FD0];
	(tm) =	ssettm $0x1  }
0x91: {  	s18 =	sld [smem:$0x3FFB];
	_ =	sdelay $0x3  }
0x92: {  	_ =	strace s18  }
0x93: {  	s3 =	sld [smem:$0x3FFC];
	_ =	sdelay $0x3  }
0x94: {  	_ =	strace s3  }
0x95: {  	s3 =	sld [smem:$0x3FFD];
	_ =	sdelay $0x3  }
0x96: {  	_ =	strace s3  }
0x97: {  	_ =	strace $0x8FFFFFFF  }
0x98: {  	s19 =	sld [smem:$0x3FDB];
	_ =	sdelay $0x1  }
0x99: {  	s4 =	simm.s32 $_scs_section_size  }
0x9a: {  	s5 =	simm.s32 $_size__tile_overlayer_lowered;
	s6 =	simm.s32 $_tile_overlayer_lowered  }
0x9b: {  	s22 =	simm.s32 $0x1BFF;
	s21 =	sshll.u32 s6, $0x1;
	s3 =	sadd.s32 s4, s19  }
0x9c: {  	s7 =	simm.s32 $0x0;
	s20 =	sshll.u32 s5, $0x1;
	s5 =	sadd.s32 s21, s3  }
0x9d: {  	[timem:s7], [sflag:s22] =	dma.local [hbm:s5], s20  }
0x9e: {  	_ =	swait.ge [sflag:s22], s20  }
0x9f: {  	s4 =	ssub.s32 $0x0, s20;
	[sflag:s22] =	ssyncset.done $0x0  }
0xa0: {  	[sflag:s22] =	ssyncadd.s32 s4;
	_ =	sdelay $0x1  }
0xa1: {  	s23 =	simm.s32 $0x1B8B  }
0xa2: {  	_ =	swait.ge [sflag:s23], $0x1  }
0xa3: {  	[sflag:s23] =	ssyncset.done $0x0  }
0xa4: {  	s25 =	simm.s32 $0x1B8E;
	s24 =	sld [smem:$0x3FFE];
	[sflag:s23] =	ssyncadd.s32 $0xFFFFFFFF  }
0xa5: {  	s26 =	simm.s32 $execute0_lowered;
	[smem:$0x3FD2] =	sst s25  }
0xa6: {  	s5 =	sshll.u32 s26, $0x1;
	_ =	strace $0x80000046;
	[dreg:$0x1] =	wrdreg $0xFFFFFFFF  }
0xa7: {  	s28 =	simm.s32 $_size_execute0_lowered;
	s3 =	sadd.s32 s3, s5;
	[dreg:$0x0] =	wrdreg $0x0  }
0xa8: {  	s5 =	sshll.u32 s28, $0x1;
	[dreg:$0x2] =	wrdreg s3  }
0xa9: {  	[dreg:$0x3] =	wrdreg s5  }
0xaa: {  	[dreg:$0x4] =	wrdreg $0xC0  }
0xab: {  	_ =	task [dreg:s7], $0x5FFFF  }
0xac: {  	[dreg:$0x1] =	wrdreg $0xFFFFFFFF  }
0xad: {  	[dreg:$0x0] =	wrdreg $0x60  }
0xae: {  	[dreg:$0x2] =	wrdreg s24  }
0xaf: {  	[dreg:$0x3] =	wrdreg s2  }
0xb0: {  	[dreg:$0x4] =	wrdreg $0x9  }
0xb1: {  	_ =	task.clear_ibuf [dreg:s7], $0x5FFFF;
	_ =	strace $0x90000046  }
0xb2: {  	s29 =	simm.s32 $0x9;
	_ =	strace $0x80000048  }
0xb3: {  	_ =	swait.ge [sflag:s29], $0x1  }
0xb4: {  	[sflag:s29] =	ssyncadd.s32 $0xFFFFFFFF  }
0xb5: {  	_ =	strace $0x90000048  }
0xb6: {  	_ =	sfence  }
0xb7: {  	s30 =	sld [smem:$0x0];
	_ =	sdelay $0x2  }
0xb8: {  	s31 =	sshll.u32 s1, $0xD;
	s1 =	sshrl.u32 s1, $0x2  }
0xb9: {  	s3 =	sand.u32 $0x4000, s31;
	s1 =	sadd.s32 s1, s30  }
0xba: {  	s0 =	sor.u32 s3, s0;
	s1 =	sshll.u32 s1, $0x11  }
0xbb: {  	s0 =	sor.u32 s1, s0  }
0xbc: {  	s0 =	sadd.s32 $0x8F2B, s0  }
0xbd: {  	[sflag:s0] =	ssyncadd.remote.s32 $0x1  }
0xbe: {  	_ =	sfence.sel $0xFFFF  }
0xbf: {  	[dreg:$0x0] =	wrdreg $0xFFFFFFFF;
	(pc) =	sbr.abs _section_cstart, $3  }
0xc0: {  	[dreg:$0x1] =	wrdreg $0xFFFFFFFF  }
0xc1: {  	_ =	task.clear_ibuf [dreg:s7], $0x2FFFF;
	_ =	strace $0x9FFFFFFF  }
0xc2: {  	(tm) =	ssettm $0x7FFFFFFF  }
0xc3: {  	_ =	shalt  }
tec
execute0_lowered:
.L_overlay_start_1:
0x0: {  	(tag) =	ssettag $0x1  }
0x1: {  	s0 =	srdreg.scid  }
0x2: {  	s7 =	stileid.u32;
	s3 =	rddreg [dreg:$0x0]  }
0x3: {  	s5 =	rddreg [dreg:$0x1];
	s28 =	simm.s32 $0x1380;
	s4 =	smul.u32 $0x3400, s7  }
0x4: {  	s29 =	simm.s32 $0x8200;
	s0 =	sand.u32 $0x1, s0;
	s14 =	smul.u32 $0x6800, s7  }
0x5: {  	s30 =	simm.s32 $0x1;
	s31 =	simm.s32 $0x2;
	s1 =	smul.u32 $0x34000, s0  }
0x6: {  	s8 =	sadd.s32 $0xD800, s3;
	s2 =	sshll.u32 s0, $0x4;
	s13 =	smul.u32 $0x68000, s0  }
0x7: {  	s0 =	ssub.s32 $0x2, s0;
	s2 =	sor.u32 s7, s2;
	s1 =	sadd.s32 s4, s1  }
0x8: {  	s19 =	sshrl.u32 s0, $0x1;
	s6 =	smul.u32 $0x3400, s2;
	s4 =	sadd.s32 $0x680, s1  }
0x9: {  	s2 =	simm.s32 $0x0;
	s12 =	sadd.s32 $0xD00, s1;
	s4 =	smulhi.u32 $0x9D89D8A, s4  }
0xa: {  	s0 =	ssub.s32 s0, s19;
	s17 =	sadd.s32 $0x1380, s1;
	s16 =	smulhi.u32 $0x9D89D8A, s12  }
0xb: {  	s25 =	sadd.s32 s13, s5;
	s20 =	sadd.s32 $0x1A00, s1;
	s18 =	smulhi.u32 $0x9D89D8A, s17  }
0xc: {  	[smem:$0x7FF] =	sst s2;
	s22 =	sadd.s32 $0x2080, s1;
	s10 =	smulhi.u32 $0x9D89D8A, s20  }
0xd: {  	s14 =	sadd.s32 s14, s25;
	s11 =	smulhi.u32 $0x9D89D8A, s22;
	s12 =	sadd.s32 $0x2700, s1  }
0xe: {  	s25 =	simm.s32 $0x1A00;
	s1 =	sadd.s32 $0x2D80, s1;
	s17 =	smulhi.u32 $0x9D89D8A, s12  }
0xf: {  	s13 =	smax.u32 s0, $0x1;
	_ =	strace $0x80000047;
	s1 =	smulhi.u32 $0x9D89D8A, s1  }
0x10: {  	s6 =	sshrl.u32 s6, $0x3;
	[dreg:$0x3] =	wrdreg s8;
	s15 =	smul.u32 $0x34, s4  }
0x11: {  	s6 =	sadd.s32 s6, s3;
	s4 =	sadd.s32 $0x27ACE00, s3;
	s16 =	smul.u32 $0x34, s16  }
0x12: {  	s3 =	smul.u32 $0x34, s18;
	s21 =	sadd.s32 $0x800, s6;
	s23 =	sadd.s32 $0x8D0, s6  }
0x13: {  	s24 =	sadd.s32 $0x9A0, s6;
	s8 =	sadd.s32 $0xA70, s6;
	s9 =	sadd.s32 $0xB40, s6  }
0x14: {  	s18 =	smul.u32 $0x34, s10;
	s10 =	sadd.s32 $0xC10, s6;
	[dreg:$0x4] =	wrdreg s21  }
0x15: {  	s19 =	smul.u32 $0x34, s11;
	s11 =	sadd.s32 $0xCE0, s6;
	[dreg:$0x5] =	wrdreg s23  }
0x16: {  	s12 =	sadd.s32 $0xDB0, s6;
	[dreg:$0x6] =	wrdreg s24;
	s26 =	smul.u32 $0x34, s17  }
0x17: {  	s1 =	smul.u32 $0x34, s1;
	s23 =	simm.s32 $0x3;
	s24 =	simm.s32 $0xD00  }
0x18: {  	s15 =	sadd.s32 s15, s5;
	s16 =	sadd.s32 s16, s5;
	s17 =	sadd.s32 s3, s5  }
0x19: {  	s18 =	sadd.s32 s18, s5;
	s19 =	sadd.s32 s19, s5;
	s20 =	sadd.s32 s26, s5  }
0x1a: {  	s21 =	sadd.s32 s1, s5;
	s26 =	simm.s32 $0x680;
	s1 =	simm.s32 $0x0  }
.LBB2_1:
0x1b: {  	s0 =	smul.u32 $0x4F, s2;
	s3 =	rddreg [dreg:$0x3];
	s5 =	simm.s32 $0xEA00  }
0x1c: {  	[tilespmem:s5], [sflag:$0x3] =	stream.linear.gather [hbm4b:s3+s2], $0xD0, $0x38;
	[tilespmem:$0xEAD0] =	vst v63  }
0x1d: {  	_ =	swait.ge [sflag:s23], $0xD0;
	s0 =	sshrl.u32 s0, $0xA  }
0x1e: {  	[sflag:s23] =	ssyncset.done $0x0;
	s0 =	sand.u32 $0x3F, s0  }
0x1f: {  	s5 =	rddreg [dreg:$0x4];
	[sflag:s23] =	ssyncadd.s32 $0xFFFFFF30;
	s0 =	smul.u32 $0xD, s0  }
0x20: {  	[tilespmem:s2], [sflag:$0x3] =	stream.linear.gather [hbm4b:s5+s2], $0x680, $0x38;
	[tilespmem:$0xEAD0] =	vst v63  }
0x21: {  	_ =	swait.ge [sflag:s23], $0x680;
	s0 =	ssub.s32 $0x0, s0  }
0x22: {  	s6 =	simm.s32 $0x1;
	[sflag:s23] =	ssyncset.done $0x0;
	s0 =	sand.u32 $0x5F, s0  }
0x23: {  	s3 =	smul.u32 $0x4F, s6;
	[sflag:s23] =	ssyncadd.s32 $0xFFFFF980;
	s0 =	sshll.u32 s0, $0x4  }
0x24: {  	v0 =	vld [tilespmem:s0+$0xEA00]  }
0x25: {  	s7 =	sshrl.u32 s3, $0xA;
	v1 =	vld [tilespmem:s2+$0x0]  }
0x26: {  	s0 =	sand.u32 $0x3F, s7  }
0x27: {  	s0 =	smul.u32 $0xD, s0;
	_ =	sdelay $0x1  }
0x28: {  	s22 =	ssub.s32 $0x1, s0  }
0x29: {  	s0 =	simm.s32 $0x2;
	s3 =	sand.u32 $0x5F, s22;
	v0 =	vadd.s32 v1, v0  }
0x2a: {  	s6 =	smul.u32 $0x4F, s0;
	s3 =	sshll.u32 s3, $0x4;
	[tilespmem:s24+$0x0] =	vst v0  }
0x2b: {  	s5 =	simm.s32 $0x3;
	s22 =	simm.s32 $0x10;
	v0 =	vld [tilespmem:s3+$0xEA00];
	s3 =	simm.s32 $0xD00  }
.LBB2_2:
0x2c: {  	p0 =	sne.s32 s5, $0x67;
	s6 =	sshrl.u32 s6, $0xA;
	v1 =	vld [tilespmem:s22+$0x0]  }
0x2d: {  	s6 =	sand.u32 $0x3F, s6  }
0x2e: {  	s6 =	smul.u32 $0xD, s6  }
.Ltmp0:
0x2f: {  	(pc) =	sbr.rel @p0 .LBB2_2-.Ltmp0, $4  }
0x30: {  	s6 =	ssub.s32 s0, s6;
	s0 =	smov.u32 s5  }
0x31: {  	s3 =	sadd.s32 $0x10, s3;
	s7 =	sand.u32 $0x5F, s6;
	v0 =	vadd.s32 v1, v0  }
0x32: {  	s6 =	smul.u32 $0x4F, s5;
	s7 =	sshll.u32 s7, $0x4;
	[tilespmem:s3+$0x0] =	vst v0  }
0x33: {  	s22 =	sadd.s32 $0x10, s22;
	s5 =	sadd.s32 $0x1, s5;
	v0 =	vld [tilespmem:s7+$0xEA00]  }
0x34: {  	s5 =	sshrl.u32 s6, $0xA;
	v1 =	vld [tilespmem:s22+$0x0]  }
0x35: {  	s5 =	sand.u32 $0x3F, s5  }
0x36: {  	s5 =	smul.u32 $0xD, s5;
	_ =	sdelay $0x1  }
0x37: {  	s0 =	ssub.s32 s0, s5  }
0x38: {  	s3 =	sadd.s32 $0x10, s3;
	s0 =	sand.u32 $0x5F, s0;
	v0 =	vadd.s32 v1, v0  }
0x39: {  	s0 =	sshll.u32 s0, $0x4;
	[tilespmem:s3+$0x0] =	vst v0  }
0x3a: {  	s22 =	sadd.s32 $0x10, s22;
	v0 =	vld [tilespmem:s0+$0xEA00]  }
0x3b: {  	v1 =	vld [tilespmem:s22+$0x0];
	_ =	sdelay $0x2  }
0x3c: {  	s6 =	simm.s32 $0x0  }
0x3d: {  	s7 =	smul.u32 $0x4F, s6  }
0x3e: {  	s5 =	sadd.s32 $0x10, s3;
	v0 =	vadd.s32 v1, v0  }
0x3f: {  	s0 =	simm.s32 $0x680;
	[tilespmem:s5+$0x0] =	vst v0;
	s5 =	sshrl.u32 s7, $0xA  }
0x40: {  	[tilespmem:s25], [sflag:$0x1] =	stream.indirect.gather [hbm4b:s4+s0], $0x10, s24, s0, $0xb8;
	[tilespmem:$0xEAD0] =	vst v63  }
0x41: {  	s5 =	sand.u32 $0x3F, s5  }
0x42: {  	s22 =	rddreg [dreg:$0x5];
	s5 =	smul.u32 $0xD, s5  }
0x43: {  	[tilespmem:s0], [sflag:$0x3] =	stream.linear.gather [hbm4b:s22+s6], $0x680, $0x38;
	[tilespmem:$0xEAD0] =	vst v63  }
0x44: {  	_ =	swait.ge [sflag:s23], $0x680;
	s7 =	ssub.s32 $0x0, s5  }
0x45: {  	s22 =	simm.s32 $0x1;
	[sflag:s23] =	ssyncset.done $0x0;
	s3 =	sand.u32 $0x5F, s7  }
0x46: {  	s5 =	smul.u32 $0x4F, s22;
	[sflag:s23] =	ssyncadd.s32 $0xFFFFF980;
	s3 =	sshll.u32 s3, $0x4  }
0x47: {  	v0 =	vld [tilespmem:s3+$0xEA00]  }
0x48: {  	s5 =	sshrl.u32 s5, $0xA;
	v1 =	vld [tilespmem:s0+$0x0]  }
0x49: {  	s6 =	sand.u32 $0x3F, s5  }
0x4a: {  	s0 =	smul.u32 $0xD, s6;
	_ =	sdelay $0x1  }
0x4b: {  	s7 =	ssub.s32 $0x1, s0  }
0x4c: {  	s3 =	simm.s32 $0x2;
	s0 =	simm.s32 $0x1380;
	s22 =	sand.u32 $0x5F, s7;
	v0 =	vadd.s32 v1, v0  }
0x4d: {  	s6 =	smul.u32 $0x4F, s3;
	s7 =	sshll.u32 s22, $0x4;
	[tilespmem:s0+$0x0] =	vst v0  }
0x4e: {  	s5 =	simm.s32 $0x3;
	s22 =	simm.s32 $0x690;
	v0 =	vld [tilespmem:s7+$0xEA00]  }
.LBB2_4:
0x4f: {  	p0 =	sne.s32 s5, $0x67;
	s6 =	sshrl.u32 s6, $0xA;
	v1 =	vld [tilespmem:s22+$0x0]  }
0x50: {  	s6 =	sand.u32 $0x3F, s6  }
0x51: {  	s6 =	smul.u32 $0xD, s6  }
.Ltmp1:
0x52: {  	(pc) =	sbr.rel @p0 .LBB2_4-.Ltmp1, $4  }
0x53: {  	s6 =	ssub.s32 s3, s6;
	s3 =	smov.u32 s5  }
0x54: {  	s0 =	sadd.s32 $0x10, s0;
	s7 =	sand.u32 $0x5F, s6;
	v0 =	vadd.s32 v1, v0  }
0x55: {  	s6 =	smul.u32 $0x4F, s5;
	s7 =	sshll.u32 s7, $0x4;
	[tilespmem:s0+$0x0] =	vst v0  }
0x56: {  	s22 =	sadd.s32 $0x10, s22;
	s5 =	sadd.s32 $0x1, s5;
	v0 =	vld [tilespmem:s7+$0xEA00]  }
0x57: {  	s5 =	sshrl.u32 s6, $0xA;
	v1 =	vld [tilespmem:s22+$0x0]  }
0x58: {  	s5 =	sand.u32 $0x3F, s5  }
0x59: {  	s5 =	smul.u32 $0xD, s5;
	_ =	sdelay $0x1  }
0x5a: {  	s3 =	ssub.s32 s3, s5  }
0x5b: {  	s0 =	sadd.s32 $0x10, s0;
	s3 =	sand.u32 $0x5F, s3;
	v0 =	vadd.s32 v1, v0  }
0x5c: {  	s3 =	sshll.u32 s3, $0x4;
	[tilespmem:s0+$0x0] =	vst v0  }
0x5d: {  	s7 =	sadd.s32 $0x10, s22;
	v0 =	vld [tilespmem:s3+$0xEA00]  }
0x5e: {  	v63 =	vld [tilespmem:s7+$0x0];
	_ =	sdelay $0x4  }
0x5f: {  	s0 =	sadd.s32 $0x10, s0;
	v0 =	vadd.s32 v63, v0  }
0x60: {  	[tilespmem:s0+$0x0] =	vst v0  }
0x61: {  	[tilespmem:s29], [sflag:$0x2] =	stream.indirect.gather [hbm4b:s4+s26], $0x10, s28, s26, $0xb8;
	[tilespmem:$0xEAD0] =	vst v63  }
0x62: {  	_ =	swait.ge [sflag:s30], $0x6800  }
0x63: {  	[sflag:s30] =	ssyncset.done $0x0  }
0x64: {  	s22 =	sadd.s32 $0x0, s14;
	s0 =	simm.s32 $0x1A00;
	[sflag:s30] =	ssyncadd.s32 $0xFFFF9800  }
0x65: {  	[hbm4b:s22+s2] =	stream.linear.scatter [tilespmem:s0], [sflag:$0x3], $0x1A0, $0x38;
	[tilespmem:$0xEAD0] =	vst v63  }
0x66: {  	_ =	swait.ge [sflag:s23], $0x1A0  }
0x67: {  	s3 =	simm.s32 $0x34;
	[sflag:s23] =	ssyncset.done $0x0  }
.LBB2_6:
0x68: {  	s5 =	sadd.s32 s3, s14  }
0x69: {  	[sflag:s23] =	ssyncadd.s32 $0xFFFFFE60;
	s0 =	sadd.s32 $0x1A0, s0;
	p0 =	sne.s32 s3, $0xCCC  }
0x6a: {  	[hbm4b:s5+s2] =	stream.linear.scatter [tilespmem:s0], [sflag:$0x3], $0x1A0, $0x38;
	[tilespmem:$0xEAD0] =	vst v63  }
.Ltmp2:
0x6b: {  	_ = 	snop;
	(pc) =	sbr.rel @p0 .LBB2_6-.Ltmp2, $4  }
0x6c: {  	_ = 	snop  }
0x6d: {  	s3 =	sadd.s32 $0x34, s3  }
0x6e: {  	_ =	swait.ge [sflag:s23], $0x1A0  }
0x6f: {  	[sflag:s23] =	ssyncset.done $0x0  }
0x70: {  	s0 =	simm.s32 $0x0  }
0x71: {  	[sflag:s23] =	ssyncadd.s32 $0xFFFFFE60;
	s5 =	rddreg [dreg:$0x6];
	s3 =	smul.u32 $0x4F, s0  }
0x72: {  	[tilespmem:s0], [sflag:$0x3] =	stream.linear.gather [hbm4b:s5+s0], $0x680, $0x38;
	[tilespmem:$0xEAD0] =	vst v63  }
0x73: {  	s3 =	sshrl.u32 s3, $0xA  }
0x74: {  	s3 =	sand.u32 $0x3F, s3  }
0x75: {  	s3 =	smul.u32 $0xD, s3  }
0x76: {  	_ =	swait.ge [sflag:s23], $0x680  }
0x77: {  	s22 =	simm.s32 $0x1;
	[sflag:s23] =	ssyncset.done $0x0;
	s3 =	ssub.s32 $0x0, s3  }
0x78: {  	s5 =	smul.u32 $0x4F, s22;
	[sflag:s23] =	ssyncadd.s32 $0xFFFFF980;
	s3 =	sand.u32 $0x5F, s3  }
0x79: {  	v1 =	vld [tilespmem:s0+$0x0];
	s3 =	sshll.u32 s3, $0x4  }
0x7a: {  	s5 =	sshrl.u32 s5, $0xA;
	v0 =	vld [tilespmem:s3+$0xEA00]  }
0x7b: {  	s6 =	sand.u32 $0x3F, s5  }
0x7c: {  	s0 =	smul.u32 $0xD, s6;
	_ =	sdelay $0x1  }
0x7d: {  	s7 =	ssub.s32 $0x1, s0  }
0x7e: {  	s0 =	simm.s32 $0xD00;
	s22 =	sand.u32 $0x5F, s7;
	s3 =	simm.s32 $0x2;
	v0 =	vadd.s32 v1, v0  }
0x7f: {  	s7 =	sshll.u32 s22, $0x4;
	s6 =	smul.u32 $0x4F, s3;
	[tilespmem:s0+$0x0] =	vst v0  }
0x80: {  	s5 =	simm.s32 $0x3;
	s22 =	simm.s32 $0x10;
	v0 =	vld [tilespmem:s7+$0xEA00]  }
.LBB2_8:
0x81: {  	p0 =	sne.s32 s5, $0x67;
	s6 =	sshrl.u32 s6, $0xA;
	v1 =	vld [tilespmem:s22+$0x0]  }
0x82: {  	s6 =	sand.u32 $0x3F, s6  }
0x83: {  	s6 =	smul.u32 $0xD, s6  }
.Ltmp3:
0x84: {  	(pc) =	sbr.rel @p0 .LBB2_8-.Ltmp3, $4  }
0x85: {  	s6 =	ssub.s32 s3, s6;
	s3 =	smov.u32 s5  }
0x86: {  	s0 =	sadd.s32 $0x10, s0;
	s7 =	sand.u32 $0x5F, s6;
	v0 =	vadd.s32 v1, v0  }
0x87: {  	s6 =	smul.u32 $0x4F, s5;
	s7 =	sshll.u32 s7, $0x4;
	[tilespmem:s0+$0x0] =	vst v0  }
0x88: {  	s22 =	sadd.s32 $0x10, s22;
	s5 =	sadd.s32 $0x1, s5;
	v0 =	vld [tilespmem:s7+$0xEA00]  }
0x89: {  	s5 =	sshrl.u32 s6, $0xA;
	v1 =	vld [tilespmem:s22+$0x0]  }
0x8a: {  	s5 =	sand.u32 $0x3F, s5  }
0x8b: {  	s5 =	smul.u32 $0xD, s5;
	_ =	sdelay $0x1  }
0x8c: {  	s3 =	ssub.s32 s3, s5  }
0x8d: {  	s0 =	sadd.s32 $0x10, s0;
	s3 =	sand.u32 $0x5F, s3;
	v0 =	vadd.s32 v1, v0  }
0x8e: {  	s3 =	sshll.u32 s3, $0x4;
	[tilespmem:s0+$0x0] =	vst v0  }
0x8f: {  	s7 =	sadd.s32 $0x10, s22;
	v0 =	vld [tilespmem:s3+$0xEA00]  }
0x90: {  	v63 =	vld [tilespmem:s7+$0x0];
	_ =	sdelay $0x4  }
0x91: {  	s0 =	sadd.s32 $0x10, s0;
	v0 =	vadd.s32 v63, v0  }
0x92: {  	[tilespmem:s0+$0x0] =	vst v0  }
0x93: {  	[tilespmem:s25], [sflag:$0x1] =	stream.indirect.gather [hbm4b:s4+s26], $0x10, s24, s26, $0xb8;
	[tilespmem:$0xEAD0] =	vst v63  }
0x94: {  	_ =	swait.ge [sflag:s31], $0x6800  }
0x95: {  	[sflag:s31] =	ssyncset.done $0x0  }
0x96: {  	s22 =	sadd.s32 $0x0, s15;
	s0 =	simm.s32 $0x8200;
	[sflag:s31] =	ssyncadd.s32 $0xFFFF9800  }
0x97: {  	[hbm4b:s22+s2] =	stream.linear.scatter [tilespmem:s0], [sflag:$0x3], $0x1A0, $0x38;
	[tilespmem:$0xEAD0] =	vst v63  }
0x98: {  	_ =	swait.ge [sflag:s23], $0x1A0  }
0x99: {  	s3 =	simm.s32 $0x34;
	[sflag:s23] =	ssyncset.done $0x0  }
.LBB2_10:
0x9a: {  	s5 =	sadd.s32 s3, s15  }
0x9b: {  	[sflag:s23] =	ssyncadd.s32 $0xFFFFFE60;
	s0 =	sadd.s32 $0x1A0, s0;
	p0 =	sne.s32 s3, $0xCCC  }
0x9c: {  	[hbm4b:s5+s2] =	stream.linear.scatter [tilespmem:s0], [sflag:$0x3], $0x1A0, $0x38;
	[tilespmem:$0xEAD0] =	vst v63  }
.Ltmp4:
0x9d: {  	_ = 	snop;
	(pc) =	sbr.rel @p0 .LBB2_10-.Ltmp4, $4  }
0x9e: {  	_ = 	snop  }
0x9f: {  	s3 =	sadd.s32 $0x34, s3  }
0xa0: {  	_ =	swait.ge [sflag:s23], $0x1A0  }
0xa1: {  	[sflag:s23] =	ssyncset.done $0x0  }
0xa2: {  	s0 =	simm.s32 $0x0  }
0xa3: {  	[sflag:s23] =	ssyncadd.s32 $0xFFFFFE60;
	s5 =	simm.s32 $0x680;
	s3 =	smul.u32 $0x4F, s0  }
0xa4: {  	[tilespmem:s5], [sflag:$0x3] =	stream.linear.gather [hbm4b:s8+s0], $0x680, $0x38;
	[tilespmem:$0xEAD0] =	vst v63  }
0xa5: {  	s3 =	sshrl.u32 s3, $0xA  }
0xa6: {  	s3 =	sand.u32 $0x3F, s3  }
0xa7: {  	s3 =	smul.u32 $0xD, s3  }
0xa8: {  	_ =	swait.ge [sflag:s23], $0x680  }
0xa9: {  	s22 =	simm.s32 $0x1;
	[sflag:s23] =	ssyncset.done $0x0;
	s7 =	ssub.s32 $0x0, s3  }
0xaa: {  	[sflag:s23] =	ssyncadd.s32 $0xFFFFF980;
	s3 =	smul.u32 $0x4F, s22;
	s0 =	sand.u32 $0x5F, s7  }
0xab: {  	v1 =	vld [tilespmem:s5+$0x0];
	s0 =	sshll.u32 s0, $0x4  }
0xac: {  	s6 =	sshrl.u32 s3, $0xA;
	v0 =	vld [tilespmem:s0+$0xEA00]  }
0xad: {  	s0 =	sand.u32 $0x3F, s6  }
0xae: {  	s0 =	smul.u32 $0xD, s0;
	_ =	sdelay $0x1  }
0xaf: {  	s7 =	ssub.s32 $0x1, s0  }
0xb0: {  	s3 =	simm.s32 $0x2;
	s0 =	simm.s32 $0x1380;
	s22 =	sand.u32 $0x5F, s7;
	v0 =	vadd.s32 v1, v0  }
0xb1: {  	s6 =	smul.u32 $0x4F, s3;
	s7 =	sshll.u32 s22, $0x4;
	[tilespmem:s0+$0x0] =	vst v0  }
0xb2: {  	s5 =	simm.s32 $0x3;
	s22 =	simm.s32 $0x690;
	v0 =	vld [tilespmem:s7+$0xEA00]  }
.LBB2_12:
0xb3: {  	p0 =	sne.s32 s5, $0x67;
	s6 =	sshrl.u32 s6, $0xA;
	v1 =	vld [tilespmem:s22+$0x0]  }
0xb4: {  	s6 =	sand.u32 $0x3F, s6  }
0xb5: {  	s6 =	smul.u32 $0xD, s6  }
.Ltmp5:
0xb6: {  	(pc) =	sbr.rel @p0 .LBB2_12-.Ltmp5, $4  }
0xb7: {  	s6 =	ssub.s32 s3, s6;
	s3 =	smov.u32 s5  }
0xb8: {  	s0 =	sadd.s32 $0x10, s0;
	s7 =	sand.u32 $0x5F, s6;
	v0 =	vadd.s32 v1, v0  }
0xb9: {  	s6 =	smul.u32 $0x4F, s5;
	s7 =	sshll.u32 s7, $0x4;
	[tilespmem:s0+$0x0] =	vst v0  }
0xba: {  	s22 =	sadd.s32 $0x10, s22;
	s5 =	sadd.s32 $0x1, s5;
	v0 =	vld [tilespmem:s7+$0xEA00]  }
0xbb: {  	s5 =	sshrl.u32 s6, $0xA;
	v1 =	vld [tilespmem:s22+$0x0]  }
0xbc: {  	s5 =	sand.u32 $0x3F, s5  }
0xbd: {  	s5 =	smul.u32 $0xD, s5;
	_ =	sdelay $0x1  }
0xbe: {  	s3 =	ssub.s32 s3, s5  }
0xbf: {  	s0 =	sadd.s32 $0x10, s0;
	s3 =	sand.u32 $0x5F, s3;
	v0 =	vadd.s32 v1, v0  }
0xc0: {  	s3 =	sshll.u32 s3, $0x4;
	[tilespmem:s0+$0x0] =	vst v0  }
0xc1: {  	s7 =	sadd.s32 $0x10, s22;
	v0 =	vld [tilespmem:s3+$0xEA00]  }
0xc2: {  	v63 =	vld [tilespmem:s7+$0x0];
	_ =	sdelay $0x4  }
0xc3: {  	s0 =	sadd.s32 $0x10, s0;
	v0 =	vadd.s32 v63, v0  }
0xc4: {  	[tilespmem:s0+$0x0] =	vst v0  }
0xc5: {  	[tilespmem:s29], [sflag:$0x2] =	stream.indirect.gather [hbm4b:s4+s26], $0x10, s28, s26, $0xb8;
	[tilespmem:$0xEAD0] =	vst v63  }
0xc6: {  	_ =	swait.ge [sflag:s30], $0x6800  }
0xc7: {  	[sflag:s30] =	ssyncset.done $0x0  }
0xc8: {  	s22 =	sadd.s32 $0x0, s16;
	s0 =	simm.s32 $0x1A00;
	[sflag:s30] =	ssyncadd.s32 $0xFFFF9800  }
0xc9: {  	[hbm4b:s22+s2] =	stream.linear.scatter [tilespmem:s0], [sflag:$0x3], $0x1A0, $0x38;
	[tilespmem:$0xEAD0] =	vst v63  }
0xca: {  	_ =	swait.ge [sflag:s23], $0x1A0  }
0xcb: {  	s3 =	simm.s32 $0x34;
	[sflag:s23] =	ssyncset.done $0x0  }
.LBB2_14:
0xcc: {  	s5 =	sadd.s32 s3, s16  }
0xcd: {  	[sflag:s23] =	ssyncadd.s32 $0xFFFFFE60;
	s0 =	sadd.s32 $0x1A0, s0;
	p0 =	sne.s32 s3, $0xCCC  }
0xce: {  	[hbm4b:s5+s2] =	stream.linear.scatter [tilespmem:s0], [sflag:$0x3], $0x1A0, $0x38;
	[tilespmem:$0xEAD0] =	vst v63  }
.Ltmp6:
0xcf: {  	_ = 	snop;
	(pc) =	sbr.rel @p0 .LBB2_14-.Ltmp6, $4  }
0xd0: {  	_ = 	snop  }
0xd1: {  	s3 =	sadd.s32 $0x34, s3  }
0xd2: {  	_ =	swait.ge [sflag:s23], $0x1A0  }
0xd3: {  	[sflag:s23] =	ssyncset.done $0x0  }
0xd4: {  	s0 =	simm.s32 $0x0  }
0xd5: {  	[sflag:s23] =	ssyncadd.s32 $0xFFFFFE60;
	s3 =	smul.u32 $0x4F, s0  }
0xd6: {  	[tilespmem:s0], [sflag:$0x3] =	stream.linear.gather [hbm4b:s9+s0], $0x680, $0x38;
	[tilespmem:$0xEAD0] =	vst v63  }
0xd7: {  	s3 =	sshrl.u32 s3, $0xA  }
0xd8: {  	s3 =	sand.u32 $0x3F, s3  }
0xd9: {  	s3 =	smul.u32 $0xD, s3  }
0xda: {  	_ =	swait.ge [sflag:s23], $0x680  }
0xdb: {  	s5 =	simm.s32 $0x1;
	[sflag:s23] =	ssyncset.done $0x0;
	s3 =	ssub.s32 $0x0, s3  }
0xdc: {  	s5 =	smul.u32 $0x4F, s5;
	[sflag:s23] =	ssyncadd.s32 $0xFFFFF980;
	s3 =	sand.u32 $0x5F, s3  }
0xdd: {  	v1 =	vld [tilespmem:s0+$0x0];
	s3 =	sshll.u32 s3, $0x4  }
0xde: {  	s5 =	sshrl.u32 s5, $0xA;
	v0 =	vld [tilespmem:s3+$0xEA00]  }
0xdf: {  	s6 =	sand.u32 $0x3F, s5  }
0xe0: {  	s0 =	smul.u32 $0xD, s6;
	_ =	sdelay $0x1  }
0xe1: {  	s7 =	ssub.s32 $0x1, s0  }
0xe2: {  	s0 =	simm.s32 $0xD00;
	s22 =	sand.u32 $0x5F, s7;
	s3 =	simm.s32 $0x2;
	v0 =	vadd.s32 v1, v0  }
0xe3: {  	s7 =	sshll.u32 s22, $0x4;
	s6 =	smul.u32 $0x4F, s3;
	[tilespmem:s0+$0x0] =	vst v0  }
0xe4: {  	s5 =	simm.s32 $0x3;
	s22 =	simm.s32 $0x10;
	v0 =	vld [tilespmem:s7+$0xEA00]  }
.LBB2_16:
0xe5: {  	p0 =	sne.s32 s5, $0x67;
	s6 =	sshrl.u32 s6, $0xA;
	v1 =	vld [tilespmem:s22+$0x0]  }
0xe6: {  	s6 =	sand.u32 $0x3F, s6  }
0xe7: {  	s6 =	smul.u32 $0xD, s6  }
.Ltmp7:
0xe8: {  	(pc) =	sbr.rel @p0 .LBB2_16-.Ltmp7, $4  }
0xe9: {  	s6 =	ssub.s32 s3, s6;
	s3 =	smov.u32 s5  }
0xea: {  	s0 =	sadd.s32 $0x10, s0;
	s7 =	sand.u32 $0x5F, s6;
	v0 =	vadd.s32 v1, v0  }
0xeb: {  	s6 =	smul.u32 $0x4F, s5;
	s7 =	sshll.u32 s7, $0x4;
	[tilespmem:s0+$0x0] =	vst v0  }
0xec: {  	s22 =	sadd.s32 $0x10, s22;
	s5 =	sadd.s32 $0x1, s5;
	v0 =	vld [tilespmem:s7+$0xEA00]  }
0xed: {  	s5 =	sshrl.u32 s6, $0xA;
	v1 =	vld [tilespmem:s22+$0x0]  }
0xee: {  	s5 =	sand.u32 $0x3F, s5  }
0xef: {  	s5 =	smul.u32 $0xD, s5;
	_ =	sdelay $0x1  }
0xf0: {  	s3 =	ssub.s32 s3, s5  }
0xf1: {  	s0 =	sadd.s32 $0x10, s0;
	s3 =	sand.u32 $0x5F, s3;
	v0 =	vadd.s32 v1, v0  }
0xf2: {  	s3 =	sshll.u32 s3, $0x4;
	[tilespmem:s0+$0x0] =	vst v0  }
0xf3: {  	s7 =	sadd.s32 $0x10, s22;
	v0 =	vld [tilespmem:s3+$0xEA00]  }
0xf4: {  	v63 =	vld [tilespmem:s7+$0x0];
	_ =	sdelay $0x4  }
0xf5: {  	s0 =	sadd.s32 $0x10, s0;
	v0 =	vadd.s32 v63, v0  }
0xf6: {  	[tilespmem:s0+$0x0] =	vst v0  }
0xf7: {  	[tilespmem:s25], [sflag:$0x1] =	stream.indirect.gather [hbm4b:s4+s26], $0x10, s24, s26, $0xb8;
	[tilespmem:$0xEAD0] =	vst v63  }
0xf8: {  	_ =	swait.ge [sflag:s31], $0x6800  }
0xf9: {  	[sflag:s31] =	ssyncset.done $0x0  }
0xfa: {  	s22 =	sadd.s32 $0x0, s17;
	s0 =	simm.s32 $0x8200;
	[sflag:s31] =	ssyncadd.s32 $0xFFFF9800  }
0xfb: {  	[hbm4b:s22+s2] =	stream.linear.scatter [tilespmem:s0], [sflag:$0x3], $0x1A0, $0x38;
	[tilespmem:$0xEAD0] =	vst v63  }
0xfc: {  	_ =	swait.ge [sflag:s23], $0x1A0  }
0xfd: {  	s3 =	simm.s32 $0x34;
	[sflag:s23] =	ssyncset.done $0x0  }
.LBB2_18:
0xfe: {  	s5 =	sadd.s32 s3, s17  }
0xff: {  	[sflag:s23] =	ssyncadd.s32 $0xFFFFFE60;
	s0 =	sadd.s32 $0x1A0, s0;
	p0 =	sne.s32 s3, $0xCCC  }
0x100: {  	[hbm4b:s5+s2] =	stream.linear.scatter [tilespmem:s0], [sflag:$0x3], $0x1A0, $0x38;
	[tilespmem:$0xEAD0] =	vst v63  }
.Ltmp8:
0x101: {  	_ = 	snop;
	(pc) =	sbr.rel @p0 .LBB2_18-.Ltmp8, $4  }
0x102: {  	_ = 	snop  }
0x103: {  	s3 =	sadd.s32 $0x34, s3  }
0x104: {  	_ =	swait.ge [sflag:s23], $0x1A0  }
0x105: {  	[sflag:s23] =	ssyncset.done $0x0  }
0x106: {  	s0 =	simm.s32 $0x0  }
0x107: {  	[sflag:s23] =	ssyncadd.s32 $0xFFFFFE60;
	s5 =	simm.s32 $0x680;
	s3 =	smul.u32 $0x4F, s0  }
0x108: {  	[tilespmem:s5], [sflag:$0x3] =	stream.linear.gather [hbm4b:s10+s0], $0x680, $0x38;
	[tilespmem:$0xEAD0] =	vst v63  }
0x109: {  	s3 =	sshrl.u32 s3, $0xA  }
0x10a: {  	s3 =	sand.u32 $0x3F, s3  }
0x10b: {  	s3 =	smul.u32 $0xD, s3  }
0x10c: {  	_ =	swait.ge [sflag:s23], $0x680  }
0x10d: {  	s22 =	simm.s32 $0x1;
	[sflag:s23] =	ssyncset.done $0x0;
	s7 =	ssub.s32 $0x0, s3  }
0x10e: {  	[sflag:s23] =	ssyncadd.s32 $0xFFFFF980;
	s3 =	smul.u32 $0x4F, s22;
	s0 =	sand.u32 $0x5F, s7  }
0x10f: {  	v1 =	vld [tilespmem:s5+$0x0];
	s0 =	sshll.u32 s0, $0x4  }
0x110: {  	s6 =	sshrl.u32 s3, $0xA;
	v0 =	vld [tilespmem:s0+$0xEA00]  }
0x111: {  	s0 =	sand.u32 $0x3F, s6  }
0x112: {  	s0 =	smul.u32 $0xD, s0;
	_ =	sdelay $0x1  }
0x113: {  	s7 =	ssub.s32 $0x1, s0  }
0x114: {  	s3 =	simm.s32 $0x2;
	s0 =	simm.s32 $0x1380;
	s22 =	sand.u32 $0x5F, s7;
	v0 =	vadd.s32 v1, v0  }
0x115: {  	s6 =	smul.u32 $0x4F, s3;
	s7 =	sshll.u32 s22, $0x4;
	[tilespmem:s0+$0x0] =	vst v0  }
0x116: {  	s5 =	simm.s32 $0x3;
	s22 =	simm.s32 $0x690;
	v0 =	vld [tilespmem:s7+$0xEA00]  }
.LBB2_20:
0x117: {  	p0 =	sne.s32 s5, $0x67;
	s6 =	sshrl.u32 s6, $0xA;
	v1 =	vld [tilespmem:s22+$0x0]  }
0x118: {  	s6 =	sand.u32 $0x3F, s6  }
0x119: {  	s6 =	smul.u32 $0xD, s6  }
.Ltmp9:
0x11a: {  	(pc) =	sbr.rel @p0 .LBB2_20-.Ltmp9, $4  }
0x11b: {  	s6 =	ssub.s32 s3, s6;
	s3 =	smov.u32 s5  }
0x11c: {  	s0 =	sadd.s32 $0x10, s0;
	s7 =	sand.u32 $0x5F, s6;
	v0 =	vadd.s32 v1, v0  }
0x11d: {  	s6 =	smul.u32 $0x4F, s5;
	s7 =	sshll.u32 s7, $0x4;
	[tilespmem:s0+$0x0] =	vst v0  }
0x11e: {  	s22 =	sadd.s32 $0x10, s22;
	s5 =	sadd.s32 $0x1, s5;
	v0 =	vld [tilespmem:s7+$0xEA00]  }
0x11f: {  	s5 =	sshrl.u32 s6, $0xA;
	v1 =	vld [tilespmem:s22+$0x0]  }
0x120: {  	s5 =	sand.u32 $0x3F, s5  }
0x121: {  	s5 =	smul.u32 $0xD, s5;
	_ =	sdelay $0x1  }
0x122: {  	s3 =	ssub.s32 s3, s5  }
0x123: {  	s0 =	sadd.s32 $0x10, s0;
	s3 =	sand.u32 $0x5F, s3;
	v0 =	vadd.s32 v1, v0  }
0x124: {  	s3 =	sshll.u32 s3, $0x4;
	[tilespmem:s0+$0x0] =	vst v0  }
0x125: {  	s7 =	sadd.s32 $0x10, s22;
	v0 =	vld [tilespmem:s3+$0xEA00]  }
0x126: {  	v63 =	vld [tilespmem:s7+$0x0];
	_ =	sdelay $0x4  }
0x127: {  	s0 =	sadd.s32 $0x10, s0;
	v0 =	vadd.s32 v63, v0  }
0x128: {  	[tilespmem:s0+$0x0] =	vst v0  }
0x129: {  	[tilespmem:s29], [sflag:$0x2] =	stream.indirect.gather [hbm4b:s4+s26], $0x10, s28, s26, $0xb8;
	[tilespmem:$0xEAD0] =	vst v63  }
0x12a: {  	_ =	swait.ge [sflag:s30], $0x6800  }
0x12b: {  	[sflag:s30] =	ssyncset.done $0x0  }
0x12c: {  	s22 =	sadd.s32 $0x0, s18;
	s0 =	simm.s32 $0x1A00;
	[sflag:s30] =	ssyncadd.s32 $0xFFFF9800  }
0x12d: {  	[hbm4b:s22+s2] =	stream.linear.scatter [tilespmem:s0], [sflag:$0x3], $0x1A0, $0x38;
	[tilespmem:$0xEAD0] =	vst v63  }
0x12e: {  	_ =	swait.ge [sflag:s23], $0x1A0  }
0x12f: {  	s3 =	simm.s32 $0x34;
	[sflag:s23] =	ssyncset.done $0x0  }
.LBB2_22:
0x130: {  	s5 =	sadd.s32 s3, s18  }
0x131: {  	[sflag:s23] =	ssyncadd.s32 $0xFFFFFE60;
	s0 =	sadd.s32 $0x1A0, s0;
	p0 =	sne.s32 s3, $0xCCC  }
0x132: {  	[hbm4b:s5+s2] =	stream.linear.scatter [tilespmem:s0], [sflag:$0x3], $0x1A0, $0x38;
	[tilespmem:$0xEAD0] =	vst v63  }
.Ltmp10:
0x133: {  	_ = 	snop;
	(pc) =	sbr.rel @p0 .LBB2_22-.Ltmp10, $4  }
0x134: {  	_ = 	snop  }
0x135: {  	s3 =	sadd.s32 $0x34, s3  }
0x136: {  	_ =	swait.ge [sflag:s23], $0x1A0  }
0x137: {  	[sflag:s23] =	ssyncset.done $0x0  }
0x138: {  	s0 =	simm.s32 $0x0  }
0x139: {  	[sflag:s23] =	ssyncadd.s32 $0xFFFFFE60;
	s3 =	smul.u32 $0x4F, s0  }
0x13a: {  	[tilespmem:s0], [sflag:$0x3] =	stream.linear.gather [hbm4b:s11+s0], $0x680, $0x38;
	[tilespmem:$0xEAD0] =	vst v63  }
0x13b: {  	s3 =	sshrl.u32 s3, $0xA  }
0x13c: {  	s3 =	sand.u32 $0x3F, s3  }
0x13d: {  	s3 =	smul.u32 $0xD, s3  }
0x13e: {  	_ =	swait.ge [sflag:s23], $0x680  }
0x13f: {  	s5 =	simm.s32 $0x1;
	[sflag:s23] =	ssyncset.done $0x0;
	s3 =	ssub.s32 $0x0, s3  }
0x140: {  	s5 =	smul.u32 $0x4F, s5;
	[sflag:s23] =	ssyncadd.s32 $0xFFFFF980;
	s3 =	sand.u32 $0x5F, s3  }
0x141: {  	v1 =	vld [tilespmem:s0+$0x0];
	s3 =	sshll.u32 s3, $0x4  }
0x142: {  	s5 =	sshrl.u32 s5, $0xA;
	v0 =	vld [tilespmem:s3+$0xEA00]  }
0x143: {  	s6 =	sand.u32 $0x3F, s5  }
0x144: {  	s0 =	smul.u32 $0xD, s6;
	_ =	sdelay $0x1  }
0x145: {  	s7 =	ssub.s32 $0x1, s0  }
0x146: {  	s0 =	simm.s32 $0xD00;
	s22 =	sand.u32 $0x5F, s7;
	s3 =	simm.s32 $0x2;
	v0 =	vadd.s32 v1, v0  }
0x147: {  	s7 =	sshll.u32 s22, $0x4;
	s6 =	smul.u32 $0x4F, s3;
	[tilespmem:s0+$0x0] =	vst v0  }
0x148: {  	s5 =	simm.s32 $0x3;
	s22 =	simm.s32 $0x10;
	v0 =	vld [tilespmem:s7+$0xEA00]  }
.LBB2_24:
0x149: {  	p0 =	sne.s32 s5, $0x67;
	s6 =	sshrl.u32 s6, $0xA;
	v1 =	vld [tilespmem:s22+$0x0]  }
0x14a: {  	s6 =	sand.u32 $0x3F, s6  }
0x14b: {  	s6 =	smul.u32 $0xD, s6  }
.Ltmp11:
0x14c: {  	(pc) =	sbr.rel @p0 .LBB2_24-.Ltmp11, $4  }
0x14d: {  	s6 =	ssub.s32 s3, s6;
	s3 =	smov.u32 s5  }
0x14e: {  	s0 =	sadd.s32 $0x10, s0;
	s7 =	sand.u32 $0x5F, s6;
	v0 =	vadd.s32 v1, v0  }
0x14f: {  	s6 =	smul.u32 $0x4F, s5;
	s7 =	sshll.u32 s7, $0x4;
	[tilespmem:s0+$0x0] =	vst v0  }
0x150: {  	s22 =	sadd.s32 $0x10, s22;
	s5 =	sadd.s32 $0x1, s5;
	v0 =	vld [tilespmem:s7+$0xEA00]  }
0x151: {  	s5 =	sshrl.u32 s6, $0xA;
	v1 =	vld [tilespmem:s22+$0x0]  }
0x152: {  	s5 =	sand.u32 $0x3F, s5  }
0x153: {  	s5 =	smul.u32 $0xD, s5;
	_ =	sdelay $0x1  }
0x154: {  	s3 =	ssub.s32 s3, s5  }
0x155: {  	s0 =	sadd.s32 $0x10, s0;
	s3 =	sand.u32 $0x5F, s3;
	v0 =	vadd.s32 v1, v0  }
0x156: {  	s3 =	sshll.u32 s3, $0x4;
	[tilespmem:s0+$0x0] =	vst v0  }
0x157: {  	s7 =	sadd.s32 $0x10, s22;
	v0 =	vld [tilespmem:s3+$0xEA00]  }
0x158: {  	v63 =	vld [tilespmem:s7+$0x0];
	_ =	sdelay $0x4  }
0x159: {  	s0 =	sadd.s32 $0x10, s0;
	v0 =	vadd.s32 v63, v0  }
0x15a: {  	[tilespmem:s0+$0x0] =	vst v0  }
0x15b: {  	[tilespmem:s25], [sflag:$0x1] =	stream.indirect.gather [hbm4b:s4+s26], $0x10, s24, s26, $0xb8;
	[tilespmem:$0xEAD0] =	vst v63  }
0x15c: {  	_ =	swait.ge [sflag:s31], $0x6800  }
0x15d: {  	[sflag:s31] =	ssyncset.done $0x0  }
0x15e: {  	s22 =	sadd.s32 $0x0, s19;
	s0 =	simm.s32 $0x8200;
	[sflag:s31] =	ssyncadd.s32 $0xFFFF9800  }
0x15f: {  	[hbm4b:s22+s2] =	stream.linear.scatter [tilespmem:s0], [sflag:$0x3], $0x1A0, $0x38;
	[tilespmem:$0xEAD0] =	vst v63  }
0x160: {  	_ =	swait.ge [sflag:s23], $0x1A0  }
0x161: {  	s3 =	simm.s32 $0x34;
	[sflag:s23] =	ssyncset.done $0x0  }
.LBB2_26:
0x162: {  	s5 =	sadd.s32 s3, s19  }
0x163: {  	[sflag:s23] =	ssyncadd.s32 $0xFFFFFE60;
	s0 =	sadd.s32 $0x1A0, s0;
	p0 =	sne.s32 s3, $0xCCC  }
0x164: {  	[hbm4b:s5+s2] =	stream.linear.scatter [tilespmem:s0], [sflag:$0x3], $0x1A0, $0x38;
	[tilespmem:$0xEAD0] =	vst v63  }
.Ltmp12:
0x165: {  	_ = 	snop;
	(pc) =	sbr.rel @p0 .LBB2_26-.Ltmp12, $4  }
0x166: {  	_ = 	snop  }
0x167: {  	s3 =	sadd.s32 $0x34, s3  }
0x168: {  	_ =	swait.ge [sflag:s23], $0x1A0  }
0x169: {  	[sflag:s23] =	ssyncset.done $0x0  }
0x16a: {  	s0 =	simm.s32 $0x0  }
0x16b: {  	[sflag:s23] =	ssyncadd.s32 $0xFFFFFE60;
	s5 =	simm.s32 $0x680;
	s3 =	smul.u32 $0x4F, s0  }
0x16c: {  	[tilespmem:s5], [sflag:$0x3] =	stream.linear.gather [hbm4b:s12+s0], $0x680, $0x38;
	[tilespmem:$0xEAD0] =	vst v63  }
0x16d: {  	s3 =	sshrl.u32 s3, $0xA  }
0x16e: {  	s3 =	sand.u32 $0x3F, s3  }
0x16f: {  	s3 =	smul.u32 $0xD, s3  }
0x170: {  	_ =	swait.ge [sflag:s23], $0x680  }
0x171: {  	s22 =	simm.s32 $0x1;
	[sflag:s23] =	ssyncset.done $0x0;
	s7 =	ssub.s32 $0x0, s3  }
0x172: {  	[sflag:s23] =	ssyncadd.s32 $0xFFFFF980;
	s3 =	smul.u32 $0x4F, s22;
	s0 =	sand.u32 $0x5F, s7  }
0x173: {  	v1 =	vld [tilespmem:s5+$0x0];
	s0 =	sshll.u32 s0, $0x4  }
0x174: {  	s6 =	sshrl.u32 s3, $0xA;
	v0 =	vld [tilespmem:s0+$0xEA00]  }
0x175: {  	s0 =	sand.u32 $0x3F, s6  }
0x176: {  	s0 =	smul.u32 $0xD, s0;
	_ =	sdelay $0x1  }
0x177: {  	s7 =	ssub.s32 $0x1, s0  }
0x178: {  	s3 =	simm.s32 $0x2;
	s0 =	simm.s32 $0x1380;
	s22 =	sand.u32 $0x5F, s7;
	v0 =	vadd.s32 v1, v0  }
0x179: {  	s6 =	smul.u32 $0x4F, s3;
	s7 =	sshll.u32 s22, $0x4;
	[tilespmem:s0+$0x0] =	vst v0  }
0x17a: {  	s5 =	simm.s32 $0x3;
	s22 =	simm.s32 $0x690;
	v0 =	vld [tilespmem:s7+$0xEA00]  }
.LBB2_28:
0x17b: {  	p0 =	sne.s32 s5, $0x67;
	s6 =	sshrl.u32 s6, $0xA;
	v1 =	vld [tilespmem:s22+$0x0]  }
0x17c: {  	s6 =	sand.u32 $0x3F, s6  }
0x17d: {  	s6 =	smul.u32 $0xD, s6  }
.Ltmp13:
0x17e: {  	(pc) =	sbr.rel @p0 .LBB2_28-.Ltmp13, $4  }
0x17f: {  	s6 =	ssub.s32 s3, s6;
	s3 =	smov.u32 s5  }
0x180: {  	s0 =	sadd.s32 $0x10, s0;
	s7 =	sand.u32 $0x5F, s6;
	v0 =	vadd.s32 v1, v0  }
0x181: {  	s6 =	smul.u32 $0x4F, s5;
	s7 =	sshll.u32 s7, $0x4;
	[tilespmem:s0+$0x0] =	vst v0  }
0x182: {  	s22 =	sadd.s32 $0x10, s22;
	s5 =	sadd.s32 $0x1, s5;
	v0 =	vld [tilespmem:s7+$0xEA00]  }
0x183: {  	s5 =	sshrl.u32 s6, $0xA;
	v1 =	vld [tilespmem:s22+$0x0]  }
0x184: {  	s5 =	sand.u32 $0x3F, s5  }
0x185: {  	s5 =	smul.u32 $0xD, s5;
	_ =	sdelay $0x1  }
0x186: {  	s3 =	ssub.s32 s3, s5  }
0x187: {  	s0 =	sadd.s32 $0x10, s0;
	s3 =	sand.u32 $0x5F, s3;
	v0 =	vadd.s32 v1, v0  }
0x188: {  	s3 =	sshll.u32 s3, $0x4;
	[tilespmem:s0+$0x0] =	vst v0  }
0x189: {  	s7 =	sadd.s32 $0x10, s22;
	v0 =	vld [tilespmem:s3+$0xEA00]  }
0x18a: {  	v63 =	vld [tilespmem:s7+$0x0];
	_ =	sdelay $0x4  }
0x18b: {  	s0 =	sadd.s32 $0x10, s0;
	v0 =	vadd.s32 v63, v0  }
0x18c: {  	[tilespmem:s0+$0x0] =	vst v0  }
0x18d: {  	[tilespmem:s29], [sflag:$0x2] =	stream.indirect.gather [hbm4b:s4+s26], $0x10, s28, s26, $0xb8;
	[tilespmem:$0xEAD0] =	vst v63  }
0x18e: {  	_ =	swait.ge [sflag:s30], $0x6800  }
0x18f: {  	[sflag:s30] =	ssyncset.done $0x0  }
0x190: {  	s22 =	sadd.s32 $0x0, s20;
	s0 =	simm.s32 $0x1A00;
	[sflag:s30] =	ssyncadd.s32 $0xFFFF9800  }
0x191: {  	[hbm4b:s22+s2] =	stream.linear.scatter [tilespmem:s0], [sflag:$0x3], $0x1A0, $0x38;
	[tilespmem:$0xEAD0] =	vst v63  }
0x192: {  	_ =	swait.ge [sflag:s23], $0x1A0  }
0x193: {  	s3 =	simm.s32 $0x34;
	[sflag:s23] =	ssyncset.done $0x0  }
.LBB2_30:
0x194: {  	s5 =	sadd.s32 s3, s20  }
0x195: {  	[sflag:s23] =	ssyncadd.s32 $0xFFFFFE60;
	s0 =	sadd.s32 $0x1A0, s0;
	p0 =	sne.s32 s3, $0xCCC  }
0x196: {  	[hbm4b:s5+s2] =	stream.linear.scatter [tilespmem:s0], [sflag:$0x3], $0x1A0, $0x38;
	[tilespmem:$0xEAD0] =	vst v63  }
.Ltmp14:
0x197: {  	_ = 	snop;
	(pc) =	sbr.rel @p0 .LBB2_30-.Ltmp14, $4  }
0x198: {  	_ = 	snop  }
0x199: {  	s3 =	sadd.s32 $0x34, s3  }
0x19a: {  	_ =	swait.ge [sflag:s23], $0x1A0  }
0x19b: {  	[sflag:s23] =	ssyncset.done $0x0  }
0x19c: {  	[sflag:s23] =	ssyncadd.s32 $0xFFFFFE60  }
0x19d: {  	_ =	swait.ge [sflag:s31], $0x6800  }
0x19e: {  	[sflag:s31] =	ssyncset.done $0x0  }
0x19f: {  	s0 =	simm.s32 $0x8200;
	s3 =	sadd.s32 $0x0, s21;
	[sflag:s31] =	ssyncadd.s32 $0xFFFF9800  }
0x1a0: {  	[hbm4b:s3+s2] =	stream.linear.scatter [tilespmem:s0], [sflag:$0x3], $0x1A0, $0x38;
	[tilespmem:$0xEAD0] =	vst v63  }
0x1a1: {  	_ =	swait.ge [sflag:s23], $0x1A0  }
0x1a2: {  	s3 =	simm.s32 $0x34;
	[sflag:s23] =	ssyncset.done $0x0  }
.LBB2_32:
0x1a3: {  	s5 =	sadd.s32 s3, s21  }
0x1a4: {  	[sflag:s23] =	ssyncadd.s32 $0xFFFFFE60;
	s0 =	sadd.s32 $0x1A0, s0;
	p0 =	sne.s32 s3, $0xCCC  }
0x1a5: {  	[hbm4b:s5+s2] =	stream.linear.scatter [tilespmem:s0], [sflag:$0x3], $0x1A0, $0x38;
	[tilespmem:$0xEAD0] =	vst v63  }
.Ltmp15:
0x1a6: {  	_ = 	snop;
	(pc) =	sbr.rel @p0 .LBB2_32-.Ltmp15, $4  }
0x1a7: {  	_ = 	snop  }
0x1a8: {  	s3 =	sadd.s32 $0x34, s3  }
0x1a9: {  	_ =	swait.ge [sflag:s23], $0x1A0  }
0x1aa: {  	[sflag:s23] =	ssyncset.done $0x0  }
0x1ab: {  	s1 =	sadd.s32 $0x1, s1  }
0x1ac: {  	p0 =	sne.s32 s1, s13  }
.Ltmp16:
0x1ad: {  	_ = 	snop;
	(pc) =	sbr.rel @p0 .LBB2_1-.Ltmp16, $2  }
0x1ae: {  	_ =	sdelay $0x2  }
0x1af: {  	[sflag:s23] =	ssyncadd.s32 $0xFFFFFE60  }
0x1b0: {  	_ =	sfence.sel $0x180000  }
0x1b1: {  	[bflag:$0x0] =	sbarrier.arrive $0xFFFF  }
0x1b2: {  	_ =	strace $0x90000047  }
0x1b3: {  	s0 =	stileid.u32;
	[bflag:$0x2] =	sbarrier.arrive $0xFFFF  }
0x1b4: {  	p0 =	sne.s32 s0, $0x0;
	s0 =	rddreg [dreg:$0x2]  }
0x1b5: {  	s0 =	sadd.s32 @!p0 $0x100000, s0  }
0x1b6: {  	[sflag:s0] =	ssyncadd.tile.s32 @!p0 $0x1;
	_ =	shalt  }
.Lfunc_end2:
_tile_overlayer_lowered:
.L_overlay_start_2:
0x1b7: {  	(tag) =	ssettag $0x2  }
0x1b8: {  	s0 =	rddreg [dreg:$0x0];
	s2 =	stileid.u32  }
0x1b9: {  	s1 =	rddreg [dreg:$0x1];
	p0 =	sne.s32 s2, $0x0  }
0x1ba: {  	s3 =	rddreg [dreg:$0x2];
	[bflag:$0x3] =	sbarrier.arrive $0xFFFF;
	s2 =	simm.s32 @!p0 $0x1C03  }
0x1bb: {  	[timem:s3], [sflag:s2] =	dma.local @!p0 [hbm:s0], s1  }
0x1bc: {  	s0 =	simm.s32 @!p0 $0x3  }
0x1bd: {  	_ =	swait.ge @!p0 [sflag:s0], s1  }
0x1be: {  	s1 =	ssub.s32 @!p0 $0x0, s1;
	[sflag:s0] =	ssyncset.done @!p0 $0x0  }
0x1bf: {  	[sflag:s0] =	ssyncadd.s32 @!p0 s1  }
0x1c0: {  	[bflag:$0x3] =	sbarrier.arrive $0xFFFF  }
0x1c1: {  	_ =	shalt  }

</sc_bundles>
